<compile_context>
chip_gen: v7x
topology: tpu7x:2x2x1
jax: 0.10.2.dev20260603
libtpu: 0.0.44.dev20260713+nightly
codegen_flags: <defaults>
</compile_context>

<pallas_src>
import functools

import jax
import jax.numpy as jnp
from jax import lax
from jax.experimental import pallas as pl
from jax.experimental.pallas import tpu as pltpu
from jax.experimental.pallas import tpu_sc as plsc

BATCH = 4
SEQ = 2048
D = 128
NC, NS = 2, 16
NW = NC * NS
CHUNK = SEQ // NW
N_CHUNKS = BATCH


def _emb_body(idx_hbm, tok_hbm, pos_hbm, out_hbm, idx_v, rows_v, pos_v,
              psem, wsem, *gsems):
    c = lax.axis_index("c")
    s = lax.axis_index("s")
    wid = s * NC + c
    t0 = wid * CHUNK

    icps = [
        pltpu.async_copy(idx_hbm.at[k, pl.ds(t0, CHUNK)], idx_v.at[k],
                         gsems[k])
        for k in range(N_CHUNKS)
    ]

    HALF = CHUNK // 2
    pos_cps = [
        pltpu.async_copy(pos_hbm.at[0, pl.ds(t0 + p * HALF, HALF)],
                         pos_v.at[pl.ds(p * HALF, HALF)], psem)
        for p in range(2)
    ]

    QF = 2
    SUB = CHUNK // QF
    N_SUB = QF * N_CHUNKS

    def sub_src(h):
        return tok_hbm.at[idx_v.at[h // QF, pl.ds((h % QF) * SUB, SUB)]]

    gcps = []
    for h in range(N_CHUNKS):
        icps[h].wait()
        gcps.append(pltpu.async_copy(
            sub_src(h), rows_v.at[pl.ds(h * SUB, SUB)], gsems[h]))

    wcps = []
    for h in range(N_SUB):
        if h < 2:
            pos_cps[h].wait()
        gcps[h].wait()
        if h + N_CHUNKS < N_SUB:
            g = h + N_CHUNKS
            gcps.append(pltpu.async_copy(
                sub_src(g), rows_v.at[pl.ds(g * SUB, SUB)],
                gsems[g % N_CHUNKS]))

        def add_row(i, carry):
            for j in range(D // 16):
                sl = pl.ds(j * 16, 16)
                plsc.addupdate(rows_v.at[h * SUB + i, sl],
                               pos_v[(h % QF) * SUB + i, sl])
            return carry

        lax.fori_loop(0, SUB, add_row, 0)
        wcps.append(
            pltpu.async_copy(rows_v.at[pl.ds(h * SUB, SUB)],
                             out_hbm.at[h // QF,
                                        pl.ds(t0 + (h % QF) * SUB, SUB)],
                             wsem))
    for cp in wcps:
        cp.wait()


@jax.jit
def _emb(idx, tok_emb, pos_emb):
    mesh = plsc.VectorSubcoreMesh(core_axis_name="c", subcore_axis_name="s")
    f = functools.partial(
        pl.kernel,
        mesh=mesh,
        out_type=jax.ShapeDtypeStruct((BATCH, SEQ, D), jnp.float32),
        scratch_types=[
            pltpu.VMEM((N_CHUNKS, CHUNK), jnp.int32),
            pltpu.VMEM((N_CHUNKS * CHUNK, D), jnp.float32),
            pltpu.VMEM((CHUNK, D), jnp.float32),
            pltpu.SemaphoreType.DMA,
            pltpu.SemaphoreType.DMA,
        ] + [pltpu.SemaphoreType.DMA] * N_CHUNKS,
    )(_emb_body)
    return f(idx, tok_emb, pos_emb)


def kernel(idx, tok_emb, pos_emb):
    return _emb(idx.astype(jnp.int32), tok_emb, pos_emb)

# --- scband reference (transcript-rebuilt; emitter-appended) ---
"""Pipeline reference for scband-distributed-embedding-55379308314690 (READ-ONLY COPY).

The authoritative reference and input builder live on the scoring server;
editing this copy changes nothing except your own understanding.
"""

import jax, jax.numpy as jnp
import numpy as np

VOCAB_SIZE = 1000000
N_EMBD = 128
BLOCK_SIZE = 2048
BATCH = 4
SEQ = 2048


def setup_inputs(seed: int = 0) -> dict:
    key = jax.random.key(seed)
    k1, k2 = jax.random.split(key)
    idx = jax.random.randint(k1, (BATCH, SEQ), 0, VOCAB_SIZE)
    # single-rank world: local_vocab_size == vocab_size, offset == 0
    # nn.Embedding(local_vocab_size + 1, n_embd, padding_idx=0): N(0,1) init, row 0 zeroed
    tok_emb = jax.random.normal(k2, (VOCAB_SIZE + 1, N_EMBD), dtype=jnp.float32)
    tok_emb = tok_emb.at[0].set(0.0)
    # pos_emb initialized to zeros in the torch module
    pos_emb = jnp.zeros((1, BLOCK_SIZE, N_EMBD), dtype=jnp.float32)
    return {"idx": idx, "tok_emb": tok_emb, "pos_emb": pos_emb}


def reference(idx, tok_emb, pos_emb):
    b, t = idx.shape
    offset = 0
    local_vocab_size = VOCAB_SIZE
    idx2 = idx - offset
    oob = jnp.logical_or(idx2 < 1, idx2 > local_vocab_size)
    idx2 = jnp.where(oob, jnp.zeros_like(idx2), idx2)
    x = jnp.take(tok_emb, idx2, axis=0)
    # emulate padding_idx=0 semantics (row 0 is zeros; oob lookups contribute nothing)
    x = x * (~oob)[..., None].astype(x.dtype)
    # SumReduce is identity for world size 1
    x = x + pos_emb[:, :t, :]
    return x

if __name__ == "__main__":
    import jax
    _d = setup_inputs()
    print(jax.jit(kernel)(*tuple(_d.values())))

</pallas_src>

<mosaic_0001>
#map = affine_map<(d0, d1) -> (0, 0)>
#map1 = affine_map<(d0, d1) -> (0, 0, 0)>
module attributes {stable_mosaic.version = 14 : i64} {
  func.func @_emb_body(%arg0: i32, %arg1: i32, %arg2: memref<4x2048xi32, #tpu.memory_space<hbm>>, %arg3: memref<1000001x128xf32, #tpu.memory_space<hbm>>, %arg4: memref<1x2048x128xf32, #tpu.memory_space<hbm>>, %arg5: memref<4x2048x128xf32, #tpu.memory_space<hbm>>, %arg6: memref<4x64xi32, #tpu.memory_space<vmem>>, %arg7: memref<256x128xf32, #tpu.memory_space<vmem>>, %arg8: memref<64x128xf32, #tpu.memory_space<vmem>>, %arg9: memref<!tpu.dma_semaphore, #tpu.memory_space<semaphore_mem>>, %arg10: memref<!tpu.dma_semaphore, #tpu.memory_space<semaphore_mem>>, %arg11: memref<!tpu.dma_semaphore, #tpu.memory_space<semaphore_mem>>, %arg12: memref<!tpu.dma_semaphore, #tpu.memory_space<semaphore_mem>>, %arg13: memref<!tpu.dma_semaphore, #tpu.memory_space<semaphore_mem>>, %arg14: memref<!tpu.dma_semaphore, #tpu.memory_space<semaphore_mem>>) attributes {dimension_semantics = [#tpu.dimension_semantics<core_parallel>, #tpu.dimension_semantics<subcore_parallel>], iteration_bounds = array<i64: 2, 16>, scalar_prefetch = 0 : i64, scratch_operands = 9 : i64, tpu.core_type = #tpu.core_type<sc_vector_subcore>, window_params = [{transform_indices = #map}, {transform_indices = #map}, {transform_indices = #map1}, {transform_indices = #map1}]} {
    %mul3A = arith.constant 2 : i32
    %mul3A_0 = arith.muli %arg1, %mul3A : i32
    %add3A = arith.addi %mul3A_0, %arg0 : i32
    %mul3A_1 = arith.constant 64 : i32
    %mul3A_2 = arith.muli %add3A, %mul3A_1 : i32
    %dma_start3A = arith.constant 0 : i32
    %dma_start3A_3 = arith.constant 0 : i32
    %dma_start3A_4 = arith.constant 0 : i32
    %dma_start3A_5 = tpu.memref_slice %arg6[%dma_start3A_3, %dma_start3A_4] : memref<4x64xi32, #tpu.memory_space<vmem>> -> memref<1x64xi32, #tpu.memory_space<vmem>>
    %dma_start3A_6 = tpu.memref_squeeze %dma_start3A_5 : memref<1x64xi32, #tpu.memory_space<vmem>> -> memref<64xi32, #tpu.memory_space<vmem>>
    %dma_start3A_7 = tpu.memref_slice %arg2[%dma_start3A, %mul3A_2] : memref<4x2048xi32, #tpu.memory_space<hbm>> -> memref<1x64xi32, #tpu.memory_space<hbm>>
    %dma_start3A_8 = tpu.memref_squeeze %dma_start3A_7 : memref<1x64xi32, #tpu.memory_space<hbm>> -> memref<64xi32, #tpu.memory_space<hbm>>
    %dma_start3A_9 = arith.constant 0 : i32
    %dma_start3A_10 = tpu.memref_slice %arg6[%dma_start3A_3, %dma_start3A_9] : memref<4x64xi32, #tpu.memory_space<vmem>> -> memref<1x64xi32, #tpu.memory_space<vmem>>
    %dma_start3A_11 = tpu.memref_squeeze %dma_start3A_10 : memref<1x64xi32, #tpu.memory_space<vmem>> -> memref<64xi32, #tpu.memory_space<vmem>>
    %dma_start3A_12 = tpu.memref_slice %arg2[%dma_start3A, %mul3A_2] : memref<4x2048xi32, #tpu.memory_space<hbm>> -> memref<1x64xi32, #tpu.memory_space<hbm>>
    %dma_start3A_13 = tpu.memref_squeeze %dma_start3A_12 : memref<1x64xi32, #tpu.memory_space<hbm>> -> memref<64xi32, #tpu.memory_space<hbm>>
    tpu.enqueue_dma source(%dma_start3A_13 : memref<64xi32, #tpu.memory_space<hbm>>) target(%dma_start3A_11 : memref<64xi32, #tpu.memory_space<vmem>>) target_semaphore(%arg11 : memref<!tpu.dma_semaphore, #tpu.memory_space<semaphore_mem>>)
    %dma_start3A_14 = arith.constant 1 : i32
    %dma_start3A_15 = arith.constant 1 : i32
    %dma_start3A_16 = arith.constant 0 : i32
    %dma_start3A_17 = tpu.memref_slice %arg6[%dma_start3A_15, %dma_start3A_16] : memref<4x64xi32, #tpu.memory_space<vmem>> -> memref<1x64xi32, #tpu.memory_space<vmem>>
    %dma_start3A_18 = tpu.memref_squeeze %dma_start3A_17 : memref<1x64xi32, #tpu.memory_space<vmem>> -> memref<64xi32, #tpu.memory_space<vmem>>
    %dma_start3A_19 = tpu.memref_slice %arg2[%dma_start3A_14, %mul3A_2] : memref<4x2048xi32, #tpu.memory_space<hbm>> -> memref<1x64xi32, #tpu.memory_space<hbm>>
    %dma_start3A_20 = tpu.memref_squeeze %dma_start3A_19 : memref<1x64xi32, #tpu.memory_space<hbm>> -> memref<64xi32, #tpu.memory_space<hbm>>
    %dma_start3A_21 = arith.constant 0 : i32
    %dma_start3A_22 = tpu.memref_slice %arg6[%dma_start3A_15, %dma_start3A_21] : memref<4x64xi32, #tpu.memory_space<vmem>> -> memref<1x64xi32, #tpu.memory_space<vmem>>
    %dma_start3A_23 = tpu.memref_squeeze %dma_start3A_22 : memref<1x64xi32, #tpu.memory_space<vmem>> -> memref<64xi32, #tpu.memory_space<vmem>>
    %dma_start3A_24 = tpu.memref_slice %arg2[%dma_start3A_14, %mul3A_2] : memref<4x2048xi32, #tpu.memory_space<hbm>> -> memref<1x64xi32, #tpu.memory_space<hbm>>
    %dma_start3A_25 = tpu.memref_squeeze %dma_start3A_24 : memref<1x64xi32, #tpu.memory_space<hbm>> -> memref<64xi32, #tpu.memory_space<hbm>>
    tpu.enqueue_dma source(%dma_start3A_25 : memref<64xi32, #tpu.memory_space<hbm>>) target(%dma_start3A_23 : memref<64xi32, #tpu.memory_space<vmem>>) target_semaphore(%arg12 : memref<!tpu.dma_semaphore, #tpu.memory_space<semaphore_mem>>)
    %dma_start3A_26 = arith.constant 2 : i32
    %dma_start3A_27 = arith.constant 2 : i32
    %dma_start3A_28 = arith.constant 0 : i32
    %dma_start3A_29 = tpu.memref_slice %arg6[%dma_start3A_27, %dma_start3A_28] : memref<4x64xi32, #tpu.memory_space<vmem>> -> memref<1x64xi32, #tpu.memory_space<vmem>>
    %dma_start3A_30 = tpu.memref_squeeze %dma_start3A_29 : memref<1x64xi32, #tpu.memory_space<vmem>> -> memref<64xi32, #tpu.memory_space<vmem>>
    %dma_start3A_31 = tpu.memref_slice %arg2[%dma_start3A_26, %mul3A_2] : memref<4x2048xi32, #tpu.memory_space<hbm>> -> memref<1x64xi32, #tpu.memory_space<hbm>>
    %dma_start3A_32 = tpu.memref_squeeze %dma_start3A_31 : memref<1x64xi32, #tpu.memory_space<hbm>> -> memref<64xi32, #tpu.memory_space<hbm>>
    %dma_start3A_33 = arith.constant 0 : i32
    %dma_start3A_34 = tpu.memref_slice %arg6[%dma_start3A_27, %dma_start3A_33] : memref<4x64xi32, #tpu.memory_space<vmem>> -> memref<1x64xi32, #tpu.memory_space<vmem>>
    %dma_start3A_35 = tpu.memref_squeeze %dma_start3A_34 : memref<1x64xi32, #tpu.memory_space<vmem>> -> memref<64xi32, #tpu.memory_space<vmem>>
    %dma_start3A_36 = tpu.memref_slice %arg2[%dma_start3A_26, %mul3A_2] : memref<4x2048xi32, #tpu.memory_space<hbm>> -> memref<1x64xi32, #tpu.memory_space<hbm>>
    %dma_start3A_37 = tpu.memref_squeeze %dma_start3A_36 : memref<1x64xi32, #tpu.memory_space<hbm>> -> memref<64xi32, #tpu.memory_space<hbm>>
    tpu.enqueue_dma source(%dma_start3A_37 : memref<64xi32, #tpu.memory_space<hbm>>) target(%dma_start3A_35 : memref<64xi32, #tpu.memory_space<vmem>>) target_semaphore(%arg13 : memref<!tpu.dma_semaphore, #tpu.memory_space<semaphore_mem>>)
    %dma_start3A_38 = arith.constant 3 : i32
    %dma_start3A_39 = arith.constant 3 : i32
    %dma_start3A_40 = arith.constant 0 : i32
    %dma_start3A_41 = tpu.memref_slice %arg6[%dma_start3A_39, %dma_start3A_40] : memref<4x64xi32, #tpu.memory_space<vmem>> -> memref<1x64xi32, #tpu.memory_space<vmem>>
    %dma_start3A_42 = tpu.memref_squeeze %dma_start3A_41 : memref<1x64xi32, #tpu.memory_space<vmem>> -> memref<64xi32, #tpu.memory_space<vmem>>
    %dma_start3A_43 = tpu.memref_slice %arg2[%dma_start3A_38, %mul3A_2] : memref<4x2048xi32, #tpu.memory_space<hbm>> -> memref<1x64xi32, #tpu.memory_space<hbm>>
    %dma_start3A_44 = tpu.memref_squeeze %dma_start3A_43 : memref<1x64xi32, #tpu.memory_space<hbm>> -> memref<64xi32, #tpu.memory_space<hbm>>
    %dma_start3A_45 = arith.constant 0 : i32
    %dma_start3A_46 = tpu.memref_slice %arg6[%dma_start3A_39, %dma_start3A_45] : memref<4x64xi32, #tpu.memory_space<vmem>> -> memref<1x64xi32, #tpu.memory_space<vmem>>
    %dma_start3A_47 = tpu.memref_squeeze %dma_start3A_46 : memref<1x64xi32, #tpu.memory_space<vmem>> -> memref<64xi32, #tpu.memory_space<vmem>>
    %dma_start3A_48 = tpu.memref_slice %arg2[%dma_start3A_38, %mul3A_2] : memref<4x2048xi32, #tpu.memory_space<hbm>> -> memref<1x64xi32, #tpu.memory_space<hbm>>
    %dma_start3A_49 = tpu.memref_squeeze %dma_start3A_48 : memref<1x64xi32, #tpu.memory_space<hbm>> -> memref<64xi32, #tpu.memory_space<hbm>>
    tpu.enqueue_dma source(%dma_start3A_49 : memref<64xi32, #tpu.memory_space<hbm>>) target(%dma_start3A_47 : memref<64xi32, #tpu.memory_space<vmem>>) target_semaphore(%arg14 : memref<!tpu.dma_semaphore, #tpu.memory_space<semaphore_mem>>)
    %add3A_50 = arith.constant 0 : i32
    %add3A_51 = arith.addi %mul3A_2, %add3A_50 : i32
    %dma_start3A_52 = arith.constant 0 : i32
    %dma_start3A_53 = arith.constant 0 : i32
    %dma_start3A_54 = arith.constant 0 : i32
    %dma_start3A_55 = tpu.memref_slice %arg8[%dma_start3A_53, %dma_start3A_54] : memref<64x128xf32, #tpu.memory_space<vmem>> -> memref<32x128xf32, #tpu.memory_space<vmem>>
    %dma_start3A_56 = arith.constant 0 : i32
    %dma_start3A_57 = tpu.memref_slice %arg4[%dma_start3A_52, %add3A_51, %dma_start3A_56] : memref<1x2048x128xf32, #tpu.memory_space<hbm>> -> memref<1x32x128xf32, #tpu.memory_space<hbm>>
    %dma_start3A_58 = tpu.memref_squeeze %dma_start3A_57 : memref<1x32x128xf32, #tpu.memory_space<hbm>> -> memref<32x128xf32, #tpu.memory_space<hbm>>
    %dma_start3A_59 = arith.constant 0 : i32
    %dma_start3A_60 = arith.constant 0 : i32
    %dma_start3A_61 = tpu.memref_slice %arg8[%dma_start3A_59, %dma_start3A_60] : memref<64x128xf32, #tpu.memory_space<vmem>> -> memref<32x128xf32, #tpu.memory_space<vmem>>
    %dma_start3A_62 = arith.constant 0 : i32
    %dma_start3A_63 = tpu.memref_slice %arg4[%dma_start3A_52, %add3A_51, %dma_start3A_62] : memref<1x2048x128xf32, #tpu.memory_space<hbm>> -> memref<1x32x128xf32, #tpu.memory_space<hbm>>
    %dma_start3A_64 = tpu.memref_squeeze %dma_start3A_63 : memref<1x32x128xf32, #tpu.memory_space<hbm>> -> memref<32x128xf32, #tpu.memory_space<hbm>>
    tpu.enqueue_dma source(%dma_start3A_64 : memref<32x128xf32, #tpu.memory_space<hbm>>) target(%dma_start3A_61 : memref<32x128xf32, #tpu.memory_space<vmem>>) target_semaphore(%arg9 : memref<!tpu.dma_semaphore, #tpu.memory_space<semaphore_mem>>)
    %add3A_65 = arith.constant 32 : i32
    %add3A_66 = arith.addi %mul3A_2, %add3A_65 : i32
    %dma_start3A_67 = arith.constant 0 : i32
    %dma_start3A_68 = arith.constant 32 : i32
    %dma_start3A_69 = arith.constant 0 : i32
    %dma_start3A_70 = tpu.memref_slice %arg8[%dma_start3A_68, %dma_start3A_69] : memref<64x128xf32, #tpu.memory_space<vmem>> -> memref<32x128xf32, #tpu.memory_space<vmem>>
    %dma_start3A_71 = arith.constant 0 : i32
    %dma_start3A_72 = tpu.memref_slice %arg4[%dma_start3A_67, %add3A_66, %dma_start3A_71] : memref<1x2048x128xf32, #tpu.memory_space<hbm>> -> memref<1x32x128xf32, #tpu.memory_space<hbm>>
    %dma_start3A_73 = tpu.memref_squeeze %dma_start3A_72 : memref<1x32x128xf32, #tpu.memory_space<hbm>> -> memref<32x128xf32, #tpu.memory_space<hbm>>
    %dma_start3A_74 = arith.constant 32 : i32
    %dma_start3A_75 = arith.constant 0 : i32
    %dma_start3A_76 = tpu.memref_slice %arg8[%dma_start3A_74, %dma_start3A_75] : memref<64x128xf32, #tpu.memory_space<vmem>> -> memref<32x128xf32, #tpu.memory_space<vmem>>
    %dma_start3A_77 = arith.constant 0 : i32
    %dma_start3A_78 = tpu.memref_slice %arg4[%dma_start3A_67, %add3A_66, %dma_start3A_77] : memref<1x2048x128xf32, #tpu.memory_space<hbm>> -> memref<1x32x128xf32, #tpu.memory_space<hbm>>
    %dma_start3A_79 = tpu.memref_squeeze %dma_start3A_78 : memref<1x32x128xf32, #tpu.memory_space<hbm>> -> memref<32x128xf32, #tpu.memory_space<hbm>>
    tpu.enqueue_dma source(%dma_start3A_79 : memref<32x128xf32, #tpu.memory_space<hbm>>) target(%dma_start3A_76 : memref<32x128xf32, #tpu.memory_space<vmem>>) target_semaphore(%arg9 : memref<!tpu.dma_semaphore, #tpu.memory_space<semaphore_mem>>)
    %dma_wait3A = arith.constant 0 : i32
    %dma_wait3A_80 = arith.constant 0 : i32
    %dma_wait3A_81 = arith.constant 0 : i32
    %dma_wait3A_82 = tpu.memref_slice %arg6[%dma_wait3A_80, %dma_wait3A_81] : memref<4x64xi32, #tpu.memory_space<vmem>> -> memref<1x64xi32, #tpu.memory_space<vmem>>
    %dma_wait3A_83 = tpu.memref_squeeze %dma_wait3A_82 : memref<1x64xi32, #tpu.memory_space<vmem>> -> memref<64xi32, #tpu.memory_space<vmem>>
    %dma_wait3A_84 = tpu.memref_slice %arg2[%dma_wait3A, %mul3A_2] : memref<4x2048xi32, #tpu.memory_space<hbm>> -> memref<1x64xi32, #tpu.memory_space<hbm>>
    %dma_wait3A_85 = tpu.memref_squeeze %dma_wait3A_84 : memref<1x64xi32, #tpu.memory_space<hbm>> -> memref<64xi32, #tpu.memory_space<hbm>>
    %dma_wait3A_86 = arith.constant 0 : i32
    %dma_wait3A_87 = tpu.memref_slice %arg6[%dma_wait3A_80, %dma_wait3A_86] : memref<4x64xi32, #tpu.memory_space<vmem>> -> memref<1x64xi32, #tpu.memory_space<vmem>>
    %dma_wait3A_88 = tpu.memref_squeeze %dma_wait3A_87 : memref<1x64xi32, #tpu.memory_space<vmem>> -> memref<64xi32, #tpu.memory_space<vmem>>
    %dma_wait3A_89 = tpu.memref_slice %arg2[%dma_wait3A, %mul3A_2] : memref<4x2048xi32, #tpu.memory_space<hbm>> -> memref<1x64xi32, #tpu.memory_space<hbm>>
    %dma_wait3A_90 = tpu.memref_squeeze %dma_wait3A_89 : memref<1x64xi32, #tpu.memory_space<hbm>> -> memref<64xi32, #tpu.memory_space<hbm>>
    tpu.wait_dma2 semaphore(%arg11 : memref<!tpu.dma_semaphore, #tpu.memory_space<semaphore_mem>>) src(%dma_wait3A_90 : memref<64xi32, #tpu.memory_space<hbm>>) dst(%dma_wait3A_88 : memref<64xi32, #tpu.memory_space<vmem>>)
    %dma_start3A_91 = arith.constant 0 : i32
    %dma_start3A_92 = arith.constant 0 : i32
    %dma_start3A_93 = arith.constant 0 : i32
    %dma_start3A_94 = tpu.memref_slice %arg7[%dma_start3A_92, %dma_start3A_93] : memref<256x128xf32, #tpu.memory_space<vmem>> -> memref<32x128xf32, #tpu.memory_space<vmem>>
    %dma_start3A_95 = arith.constant 0 : i32
    %dma_start3A_96 = tpu.memref_slice %arg6[%dma_start3A_91, %dma_start3A_95] : memref<4x64xi32, #tpu.memory_space<vmem>> -> memref<1x32xi32, #tpu.memory_space<vmem>>
    %dma_start3A_97 = tpu.memref_squeeze %dma_start3A_96 : memref<1x32xi32, #tpu.memory_space<vmem>> -> memref<32xi32, #tpu.memory_space<vmem>>
    %dma_start3A_98 = arith.constant 0 : i32
    %dma_start3A_99 = arith.constant 0 : i32
    %dma_start3A_100 = tpu.memref_slice %arg3[%dma_start3A_98, %dma_start3A_99] : memref<1000001x128xf32, #tpu.memory_space<hbm>> -> memref<1000001x128xf32, #tpu.memory_space<hbm>>
    tpu.enqueue_indirect_dma source(%dma_start3A_100 : memref<1000001x128xf32, #tpu.memory_space<hbm>>) target(%dma_start3A_94 : memref<32x128xf32, #tpu.memory_space<vmem>>) offsets(%dma_start3A_97 : memref<32xi32, #tpu.memory_space<vmem>>) semaphore(%arg11 : memref<!tpu.dma_semaphore, #tpu.memory_space<semaphore_mem>>)
    %dma_wait3A_101 = arith.constant 1 : i32
    %dma_wait3A_102 = arith.constant 1 : i32
    %dma_wait3A_103 = arith.constant 0 : i32
    %dma_wait3A_104 = tpu.memref_slice %arg6[%dma_wait3A_102, %dma_wait3A_103] : memref<4x64xi32, #tpu.memory_space<vmem>> -> memref<1x64xi32, #tpu.memory_space<vmem>>
    %dma_wait3A_105 = tpu.memref_squeeze %dma_wait3A_104 : memref<1x64xi32, #tpu.memory_space<vmem>> -> memref<64xi32, #tpu.memory_space<vmem>>
    %dma_wait3A_106 = tpu.memref_slice %arg2[%dma_wait3A_101, %mul3A_2] : memref<4x2048xi32, #tpu.memory_space<hbm>> -> memref<1x64xi32, #tpu.memory_space<hbm>>
    %dma_wait3A_107 = tpu.memref_squeeze %dma_wait3A_106 : memref<1x64xi32, #tpu.memory_space<hbm>> -> memref<64xi32, #tpu.memory_space<hbm>>
    %dma_wait3A_108 = arith.constant 0 : i32
    %dma_wait3A_109 = tpu.memref_slice %arg6[%dma_wait3A_102, %dma_wait3A_108] : memref<4x64xi32, #tpu.memory_space<vmem>> -> memref<1x64xi32, #tpu.memory_space<vmem>>
    %dma_wait3A_110 = tpu.memref_squeeze %dma_wait3A_109 : memref<1x64xi32, #tpu.memory_space<vmem>> -> memref<64xi32, #tpu.memory_space<vmem>>
    %dma_wait3A_111 = tpu.memref_slice %arg2[%dma_wait3A_101, %mul3A_2] : memref<4x2048xi32, #tpu.memory_space<hbm>> -> memref<1x64xi32, #tpu.memory_space<hbm>>
    %dma_wait3A_112 = tpu.memref_squeeze %dma_wait3A_111 : memref<1x64xi32, #tpu.memory_space<hbm>> -> memref<64xi32, #tpu.memory_space<hbm>>
    tpu.wait_dma2 semaphore(%arg12 : memref<!tpu.dma_semaphore, #tpu.memory_space<semaphore_mem>>) src(%dma_wait3A_112 : memref<64xi32, #tpu.memory_space<hbm>>) dst(%dma_wait3A_110 : memref<64xi32, #tpu.memory_space<vmem>>)
    %dma_start3A_113 = arith.constant 0 : i32
    %dma_start3A_114 = arith.constant 32 : i32
    %dma_start3A_115 = arith.constant 0 : i32
    %dma_start3A_116 = tpu.memref_slice %arg7[%dma_start3A_114, %dma_start3A_115] : memref<256x128xf32, #tpu.memory_space<vmem>> -> memref<32x128xf32, #tpu.memory_space<vmem>>
    %dma_start3A_117 = arith.constant 32 : i32
    %dma_start3A_118 = tpu.memref_slice %arg6[%dma_start3A_113, %dma_start3A_117] : memref<4x64xi32, #tpu.memory_space<vmem>> -> memref<1x32xi32, #tpu.memory_space<vmem>>
    %dma_start3A_119 = tpu.memref_squeeze %dma_start3A_118 : memref<1x32xi32, #tpu.memory_space<vmem>> -> memref<32xi32, #tpu.memory_space<vmem>>
    %dma_start3A_120 = arith.constant 0 : i32
    %dma_start3A_121 = arith.constant 0 : i32
    %dma_start3A_122 = tpu.memref_slice %arg3[%dma_start3A_120, %dma_start3A_121] : memref<1000001x128xf32, #tpu.memory_space<hbm>> -> memref<1000001x128xf32, #tpu.memory_space<hbm>>
    tpu.enqueue_indirect_dma source(%dma_start3A_122 : memref<1000001x128xf32, #tpu.memory_space<hbm>>) target(%dma_start3A_116 : memref<32x128xf32, #tpu.memory_space<vmem>>) offsets(%dma_start3A_119 : memref<32xi32, #tpu.memory_space<vmem>>) semaphore(%arg12 : memref<!tpu.dma_semaphore, #tpu.memory_space<semaphore_mem>>)
    %dma_wait3A_123 = arith.constant 2 : i32
    %dma_wait3A_124 = arith.constant 2 : i32
    %dma_wait3A_125 = arith.constant 0 : i32
    %dma_wait3A_126 = tpu.memref_slice %arg6[%dma_wait3A_124, %dma_wait3A_125] : memref<4x64xi32, #tpu.memory_space<vmem>> -> memref<1x64xi32, #tpu.memory_space<vmem>>
    %dma_wait3A_127 = tpu.memref_squeeze %dma_wait3A_126 : memref<1x64xi32, #tpu.memory_space<vmem>> -> memref<64xi32, #tpu.memory_space<vmem>>
    %dma_wait3A_128 = tpu.memref_slice %arg2[%dma_wait3A_123, %mul3A_2] : memref<4x2048xi32, #tpu.memory_space<hbm>> -> memref<1x64xi32, #tpu.memory_space<hbm>>
    %dma_wait3A_129 = tpu.memref_squeeze %dma_wait3A_128 : memref<1x64xi32, #tpu.memory_space<hbm>> -> memref<64xi32, #tpu.memory_space<hbm>>
    %dma_wait3A_130 = arith.constant 0 : i32
    %dma_wait3A_131 = tpu.memref_slice %arg6[%dma_wait3A_124, %dma_wait3A_130] : memref<4x64xi32, #tpu.memory_space<vmem>> -> memref<1x64xi32, #tpu.memory_space<vmem>>
    %dma_wait3A_132 = tpu.memref_squeeze %dma_wait3A_131 : memref<1x64xi32, #tpu.memory_space<vmem>> -> memref<64xi32, #tpu.memory_space<vmem>>
    %dma_wait3A_133 = tpu.memref_slice %arg2[%dma_wait3A_123, %mul3A_2] : memref<4x2048xi32, #tpu.memory_space<hbm>> -> memref<1x64xi32, #tpu.memory_space<hbm>>
    %dma_wait3A_134 = tpu.memref_squeeze %dma_wait3A_133 : memref<1x64xi32, #tpu.memory_space<hbm>> -> memref<64xi32, #tpu.memory_space<hbm>>
    tpu.wait_dma2 semaphore(%arg13 : memref<!tpu.dma_semaphore, #tpu.memory_space<semaphore_mem>>) src(%dma_wait3A_134 : memref<64xi32, #tpu.memory_space<hbm>>) dst(%dma_wait3A_132 : memref<64xi32, #tpu.memory_space<vmem>>)
    %dma_start3A_135 = arith.constant 1 : i32
    %dma_start3A_136 = arith.constant 64 : i32
    %dma_start3A_137 = arith.constant 0 : i32
    %dma_start3A_138 = tpu.memref_slice %arg7[%dma_start3A_136, %dma_start3A_137] : memref<256x128xf32, #tpu.memory_space<vmem>> -> memref<32x128xf32, #tpu.memory_space<vmem>>
    %dma_start3A_139 = arith.constant 0 : i32
    %dma_start3A_140 = tpu.memref_slice %arg6[%dma_start3A_135, %dma_start3A_139] : memref<4x64xi32, #tpu.memory_space<vmem>> -> memref<1x32xi32, #tpu.memory_space<vmem>>
    %dma_start3A_141 = tpu.memref_squeeze %dma_start3A_140 : memref<1x32xi32, #tpu.memory_space<vmem>> -> memref<32xi32, #tpu.memory_space<vmem>>
    %dma_start3A_142 = arith.constant 0 : i32
    %dma_start3A_143 = arith.constant 0 : i32
    %dma_start3A_144 = tpu.memref_slice %arg3[%dma_start3A_142, %dma_start3A_143] : memref<1000001x128xf32, #tpu.memory_space<hbm>> -> memref<1000001x128xf32, #tpu.memory_space<hbm>>
    tpu.enqueue_indirect_dma source(%dma_start3A_144 : memref<1000001x128xf32, #tpu.memory_space<hbm>>) target(%dma_start3A_138 : memref<32x128xf32, #tpu.memory_space<vmem>>) offsets(%dma_start3A_141 : memref<32xi32, #tpu.memory_space<vmem>>) semaphore(%arg13 : memref<!tpu.dma_semaphore, #tpu.memory_space<semaphore_mem>>)
    %dma_wait3A_145 = arith.constant 3 : i32
    %dma_wait3A_146 = arith.constant 3 : i32
    %dma_wait3A_147 = arith.constant 0 : i32
    %dma_wait3A_148 = tpu.memref_slice %arg6[%dma_wait3A_146, %dma_wait3A_147] : memref<4x64xi32, #tpu.memory_space<vmem>> -> memref<1x64xi32, #tpu.memory_space<vmem>>
    %dma_wait3A_149 = tpu.memref_squeeze %dma_wait3A_148 : memref<1x64xi32, #tpu.memory_space<vmem>> -> memref<64xi32, #tpu.memory_space<vmem>>
    %dma_wait3A_150 = tpu.memref_slice %arg2[%dma_wait3A_145, %mul3A_2] : memref<4x2048xi32, #tpu.memory_space<hbm>> -> memref<1x64xi32, #tpu.memory_space<hbm>>
    %dma_wait3A_151 = tpu.memref_squeeze %dma_wait3A_150 : memref<1x64xi32, #tpu.memory_space<hbm>> -> memref<64xi32, #tpu.memory_space<hbm>>
    %dma_wait3A_152 = arith.constant 0 : i32
    %dma_wait3A_153 = tpu.memref_slice %arg6[%dma_wait3A_146, %dma_wait3A_152] : memref<4x64xi32, #tpu.memory_space<vmem>> -> memref<1x64xi32, #tpu.memory_space<vmem>>
    %dma_wait3A_154 = tpu.memref_squeeze %dma_wait3A_153 : memref<1x64xi32, #tpu.memory_space<vmem>> -> memref<64xi32, #tpu.memory_space<vmem>>
    %dma_wait3A_155 = tpu.memref_slice %arg2[%dma_wait3A_145, %mul3A_2] : memref<4x2048xi32, #tpu.memory_space<hbm>> -> memref<1x64xi32, #tpu.memory_space<hbm>>
    %dma_wait3A_156 = tpu.memref_squeeze %dma_wait3A_155 : memref<1x64xi32, #tpu.memory_space<hbm>> -> memref<64xi32, #tpu.memory_space<hbm>>
    tpu.wait_dma2 semaphore(%arg14 : memref<!tpu.dma_semaphore, #tpu.memory_space<semaphore_mem>>) src(%dma_wait3A_156 : memref<64xi32, #tpu.memory_space<hbm>>) dst(%dma_wait3A_154 : memref<64xi32, #tpu.memory_space<vmem>>)
    %dma_start3A_157 = arith.constant 1 : i32
    %dma_start3A_158 = arith.constant 96 : i32
    %dma_start3A_159 = arith.constant 0 : i32
    %dma_start3A_160 = tpu.memref_slice %arg7[%dma_start3A_158, %dma_start3A_159] : memref<256x128xf32, #tpu.memory_space<vmem>> -> memref<32x128xf32, #tpu.memory_space<vmem>>
    %dma_start3A_161 = arith.constant 32 : i32
    %dma_start3A_162 = tpu.memref_slice %arg6[%dma_start3A_157, %dma_start3A_161] : memref<4x64xi32, #tpu.memory_space<vmem>> -> memref<1x32xi32, #tpu.memory_space<vmem>>
    %dma_start3A_163 = tpu.memref_squeeze %dma_start3A_162 : memref<1x32xi32, #tpu.memory_space<vmem>> -> memref<32xi32, #tpu.memory_space<vmem>>
    %dma_start3A_164 = arith.constant 0 : i32
    %dma_start3A_165 = arith.constant 0 : i32
    %dma_start3A_166 = tpu.memref_slice %arg3[%dma_start3A_164, %dma_start3A_165] : memref<1000001x128xf32, #tpu.memory_space<hbm>> -> memref<1000001x128xf32, #tpu.memory_space<hbm>>
    tpu.enqueue_indirect_dma source(%dma_start3A_166 : memref<1000001x128xf32, #tpu.memory_space<hbm>>) target(%dma_start3A_160 : memref<32x128xf32, #tpu.memory_space<vmem>>) offsets(%dma_start3A_163 : memref<32xi32, #tpu.memory_space<vmem>>) semaphore(%arg14 : memref<!tpu.dma_semaphore, #tpu.memory_space<semaphore_mem>>)
    %dma_wait3A_167 = arith.constant 0 : i32
    %dma_wait3A_168 = arith.constant 0 : i32
    %dma_wait3A_169 = arith.constant 0 : i32
    %dma_wait3A_170 = tpu.memref_slice %arg8[%dma_wait3A_168, %dma_wait3A_169] : memref<64x128xf32, #tpu.memory_space<vmem>> -> memref<32x128xf32, #tpu.memory_space<vmem>>
    %dma_wait3A_171 = arith.constant 0 : i32
    %dma_wait3A_172 = tpu.memref_slice %arg4[%dma_wait3A_167, %add3A_51, %dma_wait3A_171] : memref<1x2048x128xf32, #tpu.memory_space<hbm>> -> memref<1x32x128xf32, #tpu.memory_space<hbm>>
    %dma_wait3A_173 = tpu.memref_squeeze %dma_wait3A_172 : memref<1x32x128xf32, #tpu.memory_space<hbm>> -> memref<32x128xf32, #tpu.memory_space<hbm>>
    %dma_wait3A_174 = arith.constant 0 : i32
    %dma_wait3A_175 = arith.constant 0 : i32
    %dma_wait3A_176 = tpu.memref_slice %arg8[%dma_wait3A_174, %dma_wait3A_175] : memref<64x128xf32, #tpu.memory_space<vmem>> -> memref<32x128xf32, #tpu.memory_space<vmem>>
    %dma_wait3A_177 = arith.constant 0 : i32
    %dma_wait3A_178 = tpu.memref_slice %arg4[%dma_wait3A_167, %add3A_51, %dma_wait3A_177] : memref<1x2048x128xf32, #tpu.memory_space<hbm>> -> memref<1x32x128xf32, #tpu.memory_space<hbm>>
    %dma_wait3A_179 = tpu.memref_squeeze %dma_wait3A_178 : memref<1x32x128xf32, #tpu.memory_space<hbm>> -> memref<32x128xf32, #tpu.memory_space<hbm>>
    tpu.wait_dma2 semaphore(%arg9 : memref<!tpu.dma_semaphore, #tpu.memory_space<semaphore_mem>>) src(%dma_wait3A_179 : memref<32x128xf32, #tpu.memory_space<hbm>>) dst(%dma_wait3A_176 : memref<32x128xf32, #tpu.memory_space<vmem>>)
    %dma_wait3A_180 = arith.constant 0 : i32
    %dma_wait3A_181 = arith.constant 0 : i32
    %dma_wait3A_182 = arith.constant 0 : i32
    %dma_wait3A_183 = tpu.memref_slice %arg7[%dma_wait3A_181, %dma_wait3A_182] : memref<256x128xf32, #tpu.memory_space<vmem>> -> memref<32x128xf32, #tpu.memory_space<vmem>>
    %dma_wait3A_184 = arith.constant 0 : i32
    %dma_wait3A_185 = tpu.memref_slice %arg6[%dma_wait3A_180, %dma_wait3A_184] : memref<4x64xi32, #tpu.memory_space<vmem>> -> memref<1x32xi32, #tpu.memory_space<vmem>>
    %dma_wait3A_186 = tpu.memref_squeeze %dma_wait3A_185 : memref<1x32xi32, #tpu.memory_space<vmem>> -> memref<32xi32, #tpu.memory_space<vmem>>
    %dma_wait3A_187 = arith.constant 0 : i32
    %dma_wait3A_188 = arith.constant 0 : i32
    %dma_wait3A_189 = tpu.memref_slice %arg3[%dma_wait3A_187, %dma_wait3A_188] : memref<1000001x128xf32, #tpu.memory_space<hbm>> -> memref<1000001x128xf32, #tpu.memory_space<hbm>>
    tpu.wait_indirect_dma semaphore(%arg11 : memref<!tpu.dma_semaphore, #tpu.memory_space<semaphore_mem>>) src(%dma_wait3A_189 : memref<1000001x128xf32, #tpu.memory_space<hbm>>) dst(%dma_wait3A_183 : memref<32x128xf32, #tpu.memory_space<vmem>>)
    %dma_start3A_190 = arith.constant 2 : i32
    %dma_start3A_191 = arith.constant 128 : i32
    %dma_start3A_192 = arith.constant 0 : i32
    %dma_start3A_193 = tpu.memref_slice %arg7[%dma_start3A_191, %dma_start3A_192] : memref<256x128xf32, #tpu.memory_space<vmem>> -> memref<32x128xf32, #tpu.memory_space<vmem>>
    %dma_start3A_194 = arith.constant 0 : i32
    %dma_start3A_195 = tpu.memref_slice %arg6[%dma_start3A_190, %dma_start3A_194] : memref<4x64xi32, #tpu.memory_space<vmem>> -> memref<1x32xi32, #tpu.memory_space<vmem>>
    %dma_start3A_196 = tpu.memref_squeeze %dma_start3A_195 : memref<1x32xi32, #tpu.memory_space<vmem>> -> memref<32xi32, #tpu.memory_space<vmem>>
    %dma_start3A_197 = arith.constant 0 : i32
    %dma_start3A_198 = arith.constant 0 : i32
    %dma_start3A_199 = tpu.memref_slice %arg3[%dma_start3A_197, %dma_start3A_198] : memref<1000001x128xf32, #tpu.memory_space<hbm>> -> memref<1000001x128xf32, #tpu.memory_space<hbm>>
    tpu.enqueue_indirect_dma source(%dma_start3A_199 : memref<1000001x128xf32, #tpu.memory_space<hbm>>) target(%dma_start3A_193 : memref<32x128xf32, #tpu.memory_space<vmem>>) offsets(%dma_start3A_196 : memref<32xi32, #tpu.memory_space<vmem>>) semaphore(%arg11 : memref<!tpu.dma_semaphore, #tpu.memory_space<semaphore_mem>>)
    %scan3A = arith.constant 0 : i32
    %scan3A_200 = arith.constant 0 : i32
    %scan3A_201 = arith.constant 32 : i32
    %scan3A_202 = arith.addi %scan3A_200, %scan3A_201 : i32
    %scan3A_203 = arith.constant 1 : i32
    scf.for %scan3A_584 = %scan3A_200 to %scan3A_202 step %scan3A_203  : i32 {
      %add3A_585 = arith.constant 0 : i32
      %add3A_586 = arith.addi %add3A_585, %scan3A_584 : i32
      %add3A_587 = arith.constant 0 : i32
      %add3A_588 = arith.addi %add3A_587, %scan3A_584 : i32
      %get3A = arith.index_cast %add3A_588 : i32 to index
      %get3A_589 = arith.constant 0 : index
      %get3A_590 = tpu.vector_load %arg8[%get3A, %get3A_589] {strides = array<i32>} : memref<64x128xf32, #tpu.memory_space<vmem>>, vector<1x16xf32>,
      %get3A_591 = vector.shape_cast %get3A_590 : vector<1x16xf32> to vector<16xf32>
      %swap3A = arith.index_cast %add3A_586 : i32 to index
      %swap3A_592 = arith.constant 0 : index
      %swap3A_593 = tpu.vector_load %arg7[%swap3A, %swap3A_592] {strides = array<i32>} : memref<256x128xf32, #tpu.memory_space<vmem>>, vector<1x16xf32>,
      %swap3A_594 = vector.shape_cast %swap3A_593 : vector<1x16xf32> to vector<16xf32>
      %swap3A_595 = vector.shape_cast %get3A_591 : vector<16xf32> to vector<1x16xf32>
      tpu.vector_store %arg7[%swap3A, %swap3A_592], %swap3A_595 {add = true, strides = array<i32>} : memref<256x128xf32, #tpu.memory_space<vmem>>, vector<1x16xf32>,
      %add3A_596 = arith.constant 0 : i32
      %add3A_597 = arith.addi %add3A_596, %scan3A_584 : i32
      %add3A_598 = arith.constant 0 : i32
      %add3A_599 = arith.addi %add3A_598, %scan3A_584 : i32
      %get3A_600 = arith.index_cast %add3A_599 : i32 to index
      %get3A_601 = arith.constant 16 : index
      %get3A_602 = tpu.vector_load %arg8[%get3A_600, %get3A_601] {strides = array<i32>} : memref<64x128xf32, #tpu.memory_space<vmem>>, vector<1x16xf32>,
      %get3A_603 = vector.shape_cast %get3A_602 : vector<1x16xf32> to vector<16xf32>
      %swap3A_604 = arith.index_cast %add3A_597 : i32 to index
      %swap3A_605 = arith.constant 16 : index
      %swap3A_606 = tpu.vector_load %arg7[%swap3A_604, %swap3A_605] {strides = array<i32>} : memref<256x128xf32, #tpu.memory_space<vmem>>, vector<1x16xf32>,
      %swap3A_607 = vector.shape_cast %swap3A_606 : vector<1x16xf32> to vector<16xf32>
      %swap3A_608 = vector.shape_cast %get3A_603 : vector<16xf32> to vector<1x16xf32>
      tpu.vector_store %arg7[%swap3A_604, %swap3A_605], %swap3A_608 {add = true, strides = array<i32>} : memref<256x128xf32, #tpu.memory_space<vmem>>, vector<1x16xf32>,
      %add3A_609 = arith.constant 0 : i32
      %add3A_610 = arith.addi %add3A_609, %scan3A_584 : i32
      %add3A_611 = arith.constant 0 : i32
      %add3A_612 = arith.addi %add3A_611, %scan3A_584 : i32
      %get3A_613 = arith.index_cast %add3A_612 : i32 to index
      %get3A_614 = arith.constant 32 : index
      %get3A_615 = tpu.vector_load %arg8[%get3A_613, %get3A_614] {strides = array<i32>} : memref<64x128xf32, #tpu.memory_space<vmem>>, vector<1x16xf32>,
      %get3A_616 = vector.shape_cast %get3A_615 : vector<1x16xf32> to vector<16xf32>
      %swap3A_617 = arith.index_cast %add3A_610 : i32 to index
      %swap3A_618 = arith.constant 32 : index
      %swap3A_619 = tpu.vector_load %arg7[%swap3A_617, %swap3A_618] {strides = array<i32>} : memref<256x128xf32, #tpu.memory_space<vmem>>, vector<1x16xf32>,
      %swap3A_620 = vector.shape_cast %swap3A_619 : vector<1x16xf32> to vector<16xf32>
      %swap3A_621 = vector.shape_cast %get3A_616 : vector<16xf32> to vector<1x16xf32>
      tpu.vector_store %arg7[%swap3A_617, %swap3A_618], %swap3A_621 {add = true, strides = array<i32>} : memref<256x128xf32, #tpu.memory_space<vmem>>, vector<1x16xf32>,
      %add3A_622 = arith.constant 0 : i32
      %add3A_623 = arith.addi %add3A_622, %scan3A_584 : i32
      %add3A_624 = arith.constant 0 : i32
      %add3A_625 = arith.addi %add3A_624, %scan3A_584 : i32
      %get3A_626 = arith.index_cast %add3A_625 : i32 to index
      %get3A_627 = arith.constant 48 : index
      %get3A_628 = tpu.vector_load %arg8[%get3A_626, %get3A_627] {strides = array<i32>} : memref<64x128xf32, #tpu.memory_space<vmem>>, vector<1x16xf32>,
      %get3A_629 = vector.shape_cast %get3A_628 : vector<1x16xf32> to vector<16xf32>
      %swap3A_630 = arith.index_cast %add3A_623 : i32 to index
      %swap3A_631 = arith.constant 48 : index
      %swap3A_632 = tpu.vector_load %arg7[%swap3A_630, %swap3A_631] {strides = array<i32>} : memref<256x128xf32, #tpu.memory_space<vmem>>, vector<1x16xf32>,
      %swap3A_633 = vector.shape_cast %swap3A_632 : vector<1x16xf32> to vector<16xf32>
      %swap3A_634 = vector.shape_cast %get3A_629 : vector<16xf32> to vector<1x16xf32>
      tpu.vector_store %arg7[%swap3A_630, %swap3A_631], %swap3A_634 {add = true, strides = array<i32>} : memref<256x128xf32, #tpu.memory_space<vmem>>, vector<1x16xf32>,
      %add3A_635 = arith.constant 0 : i32
      %add3A_636 = arith.addi %add3A_635, %scan3A_584 : i32
      %add3A_637 = arith.constant 0 : i32
      %add3A_638 = arith.addi %add3A_637, %scan3A_584 : i32
      %get3A_639 = arith.index_cast %add3A_638 : i32 to index
      %get3A_640 = arith.constant 64 : index
      %get3A_641 = tpu.vector_load %arg8[%get3A_639, %get3A_640] {strides = array<i32>} : memref<64x128xf32, #tpu.memory_space<vmem>>, vector<1x16xf32>,
      %get3A_642 = vector.shape_cast %get3A_641 : vector<1x16xf32> to vector<16xf32>
      %swap3A_643 = arith.index_cast %add3A_636 : i32 to index
      %swap3A_644 = arith.constant 64 : index
      %swap3A_645 = tpu.vector_load %arg7[%swap3A_643, %swap3A_644] {strides = array<i32>} : memref<256x128xf32, #tpu.memory_space<vmem>>, vector<1x16xf32>,
      %swap3A_646 = vector.shape_cast %swap3A_645 : vector<1x16xf32> to vector<16xf32>
      %swap3A_647 = vector.shape_cast %get3A_642 : vector<16xf32> to vector<1x16xf32>
      tpu.vector_store %arg7[%swap3A_643, %swap3A_644], %swap3A_647 {add = true, strides = array<i32>} : memref<256x128xf32, #tpu.memory_space<vmem>>, vector<1x16xf32>,
      %add3A_648 = arith.constant 0 : i32
      %add3A_649 = arith.addi %add3A_648, %scan3A_584 : i32
      %add3A_650 = arith.constant 0 : i32
      %add3A_651 = arith.addi %add3A_650, %scan3A_584 : i32
      %get3A_652 = arith.index_cast %add3A_651 : i32 to index
      %get3A_653 = arith.constant 80 : index
      %get3A_654 = tpu.vector_load %arg8[%get3A_652, %get3A_653] {strides = array<i32>} : memref<64x128xf32, #tpu.memory_space<vmem>>, vector<1x16xf32>,
      %get3A_655 = vector.shape_cast %get3A_654 : vector<1x16xf32> to vector<16xf32>
      %swap3A_656 = arith.index_cast %add3A_649 : i32 to index
      %swap3A_657 = arith.constant 80 : index
      %swap3A_658 = tpu.vector_load %arg7[%swap3A_656, %swap3A_657] {strides = array<i32>} : memref<256x128xf32, #tpu.memory_space<vmem>>, vector<1x16xf32>,
      %swap3A_659 = vector.shape_cast %swap3A_658 : vector<1x16xf32> to vector<16xf32>
      %swap3A_660 = vector.shape_cast %get3A_655 : vector<16xf32> to vector<1x16xf32>
      tpu.vector_store %arg7[%swap3A_656, %swap3A_657], %swap3A_660 {add = true, strides = array<i32>} : memref<256x128xf32, #tpu.memory_space<vmem>>, vector<1x16xf32>,
      %add3A_661 = arith.constant 0 : i32
      %add3A_662 = arith.addi %add3A_661, %scan3A_584 : i32
      %add3A_663 = arith.constant 0 : i32
      %add3A_664 = arith.addi %add3A_663, %scan3A_584 : i32
      %get3A_665 = arith.index_cast %add3A_664 : i32 to index
      %get3A_666 = arith.constant 96 : index
      %get3A_667 = tpu.vector_load %arg8[%get3A_665, %get3A_666] {strides = array<i32>} : memref<64x128xf32, #tpu.memory_space<vmem>>, vector<1x16xf32>,
      %get3A_668 = vector.shape_cast %get3A_667 : vector<1x16xf32> to vector<16xf32>
      %swap3A_669 = arith.index_cast %add3A_662 : i32 to index
      %swap3A_670 = arith.constant 96 : index
      %swap3A_671 = tpu.vector_load %arg7[%swap3A_669, %swap3A_670] {strides = array<i32>} : memref<256x128xf32, #tpu.memory_space<vmem>>, vector<1x16xf32>,
      %swap3A_672 = vector.shape_cast %swap3A_671 : vector<1x16xf32> to vector<16xf32>
      %swap3A_673 = vector.shape_cast %get3A_668 : vector<16xf32> to vector<1x16xf32>
      tpu.vector_store %arg7[%swap3A_669, %swap3A_670], %swap3A_673 {add = true, strides = array<i32>} : memref<256x128xf32, #tpu.memory_space<vmem>>, vector<1x16xf32>,
      %add3A_674 = arith.constant 0 : i32
      %add3A_675 = arith.addi %add3A_674, %scan3A_584 : i32
      %add3A_676 = arith.constant 0 : i32
      %add3A_677 = arith.addi %add3A_676, %scan3A_584 : i32
      %get3A_678 = arith.index_cast %add3A_677 : i32 to index
      %get3A_679 = arith.constant 112 : index
      %get3A_680 = tpu.vector_load %arg8[%get3A_678, %get3A_679] {strides = array<i32>} : memref<64x128xf32, #tpu.memory_space<vmem>>, vector<1x16xf32>,
      %get3A_681 = vector.shape_cast %get3A_680 : vector<1x16xf32> to vector<16xf32>
      %swap3A_682 = arith.index_cast %add3A_675 : i32 to index
      %swap3A_683 = arith.constant 112 : index
      %swap3A_684 = tpu.vector_load %arg7[%swap3A_682, %swap3A_683] {strides = array<i32>} : memref<256x128xf32, #tpu.memory_space<vmem>>, vector<1x16xf32>,
      %swap3A_685 = vector.shape_cast %swap3A_684 : vector<1x16xf32> to vector<16xf32>
      %swap3A_686 = vector.shape_cast %get3A_681 : vector<16xf32> to vector<1x16xf32>
      tpu.vector_store %arg7[%swap3A_682, %swap3A_683], %swap3A_686 {add = true, strides = array<i32>} : memref<256x128xf32, #tpu.memory_space<vmem>>, vector<1x16xf32>,
    }
    %scan3A_204 = arith.constant 32 : i32
    %add3A_205 = arith.constant 0 : i32
    %add3A_206 = arith.addi %mul3A_2, %add3A_205 : i32
    %dma_start3A_207 = arith.constant 0 : i32
    %dma_start3A_208 = arith.constant 0 : i32
    %dma_start3A_209 = arith.constant 0 : i32
    %dma_start3A_210 = tpu.memref_slice %arg7[%dma_start3A_208, %dma_start3A_209] : memref<256x128xf32, #tpu.memory_space<vmem>> -> memref<32x128xf32, #tpu.memory_space<vmem>>
    %dma_start3A_211 = arith.constant 0 : i32
    %dma_start3A_212 = tpu.memref_slice %arg5[%dma_start3A_207, %add3A_206, %dma_start3A_211] : memref<4x2048x128xf32, #tpu.memory_space<hbm>> -> memref<1x32x128xf32, #tpu.memory_space<hbm>>
    %dma_start3A_213 = tpu.memref_squeeze %dma_start3A_212 : memref<1x32x128xf32, #tpu.memory_space<hbm>> -> memref<32x128xf32, #tpu.memory_space<hbm>>
    %dma_start3A_214 = arith.constant 0 : i32
    %dma_start3A_215 = tpu.memref_slice %arg5[%dma_start3A_207, %add3A_206, %dma_start3A_214] : memref<4x2048x128xf32, #tpu.memory_space<hbm>> -> memref<1x32x128xf32, #tpu.memory_space<hbm>>
    %dma_start3A_216 = tpu.memref_squeeze %dma_start3A_215 : memref<1x32x128xf32, #tpu.memory_space<hbm>> -> memref<32x128xf32, #tpu.memory_space<hbm>>
    %dma_start3A_217 = arith.constant 0 : i32
    %dma_start3A_218 = arith.constant 0 : i32
    %dma_start3A_219 = tpu.memref_slice %arg7[%dma_start3A_217, %dma_start3A_218] : memref<256x128xf32, #tpu.memory_space<vmem>> -> memref<32x128xf32, #tpu.memory_space<vmem>>
    tpu.enqueue_dma source(%dma_start3A_219 : memref<32x128xf32, #tpu.memory_space<vmem>>) target(%dma_start3A_216 : memref<32x128xf32, #tpu.memory_space<hbm>>) target_semaphore(%arg10 : memref<!tpu.dma_semaphore, #tpu.memory_space<semaphore_mem>>)
    %dma_wait3A_220 = arith.constant 0 : i32
    %dma_wait3A_221 = arith.constant 32 : i32
    %dma_wait3A_222 = arith.constant 0 : i32
    %dma_wait3A_223 = tpu.memref_slice %arg8[%dma_wait3A_221, %dma_wait3A_222] : memref<64x128xf32, #tpu.memory_space<vmem>> -> memref<32x128xf32, #tpu.memory_space<vmem>>
    %dma_wait3A_224 = arith.constant 0 : i32
    %dma_wait3A_225 = tpu.memref_slice %arg4[%dma_wait3A_220, %add3A_66, %dma_wait3A_224] : memref<1x2048x128xf32, #tpu.memory_space<hbm>> -> memref<1x32x128xf32, #tpu.memory_space<hbm>>
    %dma_wait3A_226 = tpu.memref_squeeze %dma_wait3A_225 : memref<1x32x128xf32, #tpu.memory_space<hbm>> -> memref<32x128xf32, #tpu.memory_space<hbm>>
    %dma_wait3A_227 = arith.constant 32 : i32
    %dma_wait3A_228 = arith.constant 0 : i32
    %dma_wait3A_229 = tpu.memref_slice %arg8[%dma_wait3A_227, %dma_wait3A_228] : memref<64x128xf32, #tpu.memory_space<vmem>> -> memref<32x128xf32, #tpu.memory_space<vmem>>
    %dma_wait3A_230 = arith.constant 0 : i32
    %dma_wait3A_231 = tpu.memref_slice %arg4[%dma_wait3A_220, %add3A_66, %dma_wait3A_230] : memref<1x2048x128xf32, #tpu.memory_space<hbm>> -> memref<1x32x128xf32, #tpu.memory_space<hbm>>
    %dma_wait3A_232 = tpu.memref_squeeze %dma_wait3A_231 : memref<1x32x128xf32, #tpu.memory_space<hbm>> -> memref<32x128xf32, #tpu.memory_space<hbm>>
    tpu.wait_dma2 semaphore(%arg9 : memref<!tpu.dma_semaphore, #tpu.memory_space<semaphore_mem>>) src(%dma_wait3A_232 : memref<32x128xf32, #tpu.memory_space<hbm>>) dst(%dma_wait3A_229 : memref<32x128xf32, #tpu.memory_space<vmem>>)
    %dma_wait3A_233 = arith.constant 0 : i32
    %dma_wait3A_234 = arith.constant 32 : i32
    %dma_wait3A_235 = arith.constant 0 : i32
    %dma_wait3A_236 = tpu.memref_slice %arg7[%dma_wait3A_234, %dma_wait3A_235] : memref<256x128xf32, #tpu.memory_space<vmem>> -> memref<32x128xf32, #tpu.memory_space<vmem>>
    %dma_wait3A_237 = arith.constant 32 : i32
    %dma_wait3A_238 = tpu.memref_slice %arg6[%dma_wait3A_233, %dma_wait3A_237] : memref<4x64xi32, #tpu.memory_space<vmem>> -> memref<1x32xi32, #tpu.memory_space<vmem>>
    %dma_wait3A_239 = tpu.memref_squeeze %dma_wait3A_238 : memref<1x32xi32, #tpu.memory_space<vmem>> -> memref<32xi32, #tpu.memory_space<vmem>>
    %dma_wait3A_240 = arith.constant 0 : i32
    %dma_wait3A_241 = arith.constant 0 : i32
    %dma_wait3A_242 = tpu.memref_slice %arg3[%dma_wait3A_240, %dma_wait3A_241] : memref<1000001x128xf32, #tpu.memory_space<hbm>> -> memref<1000001x128xf32, #tpu.memory_space<hbm>>
    tpu.wait_indirect_dma semaphore(%arg12 : memref<!tpu.dma_semaphore, #tpu.memory_space<semaphore_mem>>) src(%dma_wait3A_242 : memref<1000001x128xf32, #tpu.memory_space<hbm>>) dst(%dma_wait3A_236 : memref<32x128xf32, #tpu.memory_space<vmem>>)
    %dma_start3A_243 = arith.constant 2 : i32
    %dma_start3A_244 = arith.constant 160 : i32
    %dma_start3A_245 = arith.constant 0 : i32
    %dma_start3A_246 = tpu.memref_slice %arg7[%dma_start3A_244, %dma_start3A_245] : memref<256x128xf32, #tpu.memory_space<vmem>> -> memref<32x128xf32, #tpu.memory_space<vmem>>
    %dma_start3A_247 = arith.constant 32 : i32
    %dma_start3A_248 = tpu.memref_slice %arg6[%dma_start3A_243, %dma_start3A_247] : memref<4x64xi32, #tpu.memory_space<vmem>> -> memref<1x32xi32, #tpu.memory_space<vmem>>
    %dma_start3A_249 = tpu.memref_squeeze %dma_start3A_248 : memref<1x32xi32, #tpu.memory_space<vmem>> -> memref<32xi32, #tpu.memory_space<vmem>>
    %dma_start3A_250 = arith.constant 0 : i32
    %dma_start3A_251 = arith.constant 0 : i32
    %dma_start3A_252 = tpu.memref_slice %arg3[%dma_start3A_250, %dma_start3A_251] : memref<1000001x128xf32, #tpu.memory_space<hbm>> -> memref<1000001x128xf32, #tpu.memory_space<hbm>>
    tpu.enqueue_indirect_dma source(%dma_start3A_252 : memref<1000001x128xf32, #tpu.memory_space<hbm>>) target(%dma_start3A_246 : memref<32x128xf32, #tpu.memory_space<vmem>>) offsets(%dma_start3A_249 : memref<32xi32, #tpu.memory_space<vmem>>) semaphore(%arg12 : memref<!tpu.dma_semaphore, #tpu.memory_space<semaphore_mem>>)
    %scan3A_253 = arith.constant 0 : i32
    %scan3A_254 = arith.constant 0 : i32
    %scan3A_255 = arith.constant 32 : i32
    %scan3A_256 = arith.addi %scan3A_254, %scan3A_255 : i32
    %scan3A_257 = arith.constant 1 : i32
    scf.for %scan3A_584 = %scan3A_254 to %scan3A_256 step %scan3A_257  : i32 {
      %add3A_585 = arith.constant 32 : i32
      %add3A_586 = arith.addi %add3A_585, %scan3A_584 : i32
      %add3A_587 = arith.constant 32 : i32
      %add3A_588 = arith.addi %add3A_587, %scan3A_584 : i32
      %get3A = arith.index_cast %add3A_588 : i32 to index
      %get3A_589 = arith.constant 0 : index
      %get3A_590 = tpu.vector_load %arg8[%get3A, %get3A_589] {strides = array<i32>} : memref<64x128xf32, #tpu.memory_space<vmem>>, vector<1x16xf32>,
      %get3A_591 = vector.shape_cast %get3A_590 : vector<1x16xf32> to vector<16xf32>
      %swap3A = arith.index_cast %add3A_586 : i32 to index
      %swap3A_592 = arith.constant 0 : index
      %swap3A_593 = tpu.vector_load %arg7[%swap3A, %swap3A_592] {strides = array<i32>} : memref<256x128xf32, #tpu.memory_space<vmem>>, vector<1x16xf32>,
      %swap3A_594 = vector.shape_cast %swap3A_593 : vector<1x16xf32> to vector<16xf32>
      %swap3A_595 = vector.shape_cast %get3A_591 : vector<16xf32> to vector<1x16xf32>
      tpu.vector_store %arg7[%swap3A, %swap3A_592], %swap3A_595 {add = true, strides = array<i32>} : memref<256x128xf32, #tpu.memory_space<vmem>>, vector<1x16xf32>,
      %add3A_596 = arith.constant 32 : i32
      %add3A_597 = arith.addi %add3A_596, %scan3A_584 : i32
      %add3A_598 = arith.constant 32 : i32
      %add3A_599 = arith.addi %add3A_598, %scan3A_584 : i32
      %get3A_600 = arith.index_cast %add3A_599 : i32 to index
      %get3A_601 = arith.constant 16 : index
      %get3A_602 = tpu.vector_load %arg8[%get3A_600, %get3A_601] {strides = array<i32>} : memref<64x128xf32, #tpu.memory_space<vmem>>, vector<1x16xf32>,
      %get3A_603 = vector.shape_cast %get3A_602 : vector<1x16xf32> to vector<16xf32>
      %swap3A_604 = arith.index_cast %add3A_597 : i32 to index
      %swap3A_605 = arith.constant 16 : index
      %swap3A_606 = tpu.vector_load %arg7[%swap3A_604, %swap3A_605] {strides = array<i32>} : memref<256x128xf32, #tpu.memory_space<vmem>>, vector<1x16xf32>,
      %swap3A_607 = vector.shape_cast %swap3A_606 : vector<1x16xf32> to vector<16xf32>
      %swap3A_608 = vector.shape_cast %get3A_603 : vector<16xf32> to vector<1x16xf32>
      tpu.vector_store %arg7[%swap3A_604, %swap3A_605], %swap3A_608 {add = true, strides = array<i32>} : memref<256x128xf32, #tpu.memory_space<vmem>>, vector<1x16xf32>,
      %add3A_609 = arith.constant 32 : i32
      %add3A_610 = arith.addi %add3A_609, %scan3A_584 : i32
      %add3A_611 = arith.constant 32 : i32
      %add3A_612 = arith.addi %add3A_611, %scan3A_584 : i32
      %get3A_613 = arith.index_cast %add3A_612 : i32 to index
      %get3A_614 = arith.constant 32 : index
      %get3A_615 = tpu.vector_load %arg8[%get3A_613, %get3A_614] {strides = array<i32>} : memref<64x128xf32, #tpu.memory_space<vmem>>, vector<1x16xf32>,
      %get3A_616 = vector.shape_cast %get3A_615 : vector<1x16xf32> to vector<16xf32>
      %swap3A_617 = arith.index_cast %add3A_610 : i32 to index
      %swap3A_618 = arith.constant 32 : index
      %swap3A_619 = tpu.vector_load %arg7[%swap3A_617, %swap3A_618] {strides = array<i32>} : memref<256x128xf32, #tpu.memory_space<vmem>>, vector<1x16xf32>,
      %swap3A_620 = vector.shape_cast %swap3A_619 : vector<1x16xf32> to vector<16xf32>
      %swap3A_621 = vector.shape_cast %get3A_616 : vector<16xf32> to vector<1x16xf32>
      tpu.vector_store %arg7[%swap3A_617, %swap3A_618], %swap3A_621 {add = true, strides = array<i32>} : memref<256x128xf32, #tpu.memory_space<vmem>>, vector<1x16xf32>,
      %add3A_622 = arith.constant 32 : i32
      %add3A_623 = arith.addi %add3A_622, %scan3A_584 : i32
      %add3A_624 = arith.constant 32 : i32
      %add3A_625 = arith.addi %add3A_624, %scan3A_584 : i32
      %get3A_626 = arith.index_cast %add3A_625 : i32 to index
      %get3A_627 = arith.constant 48 : index
      %get3A_628 = tpu.vector_load %arg8[%get3A_626, %get3A_627] {strides = array<i32>} : memref<64x128xf32, #tpu.memory_space<vmem>>, vector<1x16xf32>,
      %get3A_629 = vector.shape_cast %get3A_628 : vector<1x16xf32> to vector<16xf32>
      %swap3A_630 = arith.index_cast %add3A_623 : i32 to index
      %swap3A_631 = arith.constant 48 : index
      %swap3A_632 = tpu.vector_load %arg7[%swap3A_630, %swap3A_631] {strides = array<i32>} : memref<256x128xf32, #tpu.memory_space<vmem>>, vector<1x16xf32>,
      %swap3A_633 = vector.shape_cast %swap3A_632 : vector<1x16xf32> to vector<16xf32>
      %swap3A_634 = vector.shape_cast %get3A_629 : vector<16xf32> to vector<1x16xf32>
      tpu.vector_store %arg7[%swap3A_630, %swap3A_631], %swap3A_634 {add = true, strides = array<i32>} : memref<256x128xf32, #tpu.memory_space<vmem>>, vector<1x16xf32>,
      %add3A_635 = arith.constant 32 : i32
      %add3A_636 = arith.addi %add3A_635, %scan3A_584 : i32
      %add3A_637 = arith.constant 32 : i32
      %add3A_638 = arith.addi %add3A_637, %scan3A_584 : i32
      %get3A_639 = arith.index_cast %add3A_638 : i32 to index
      %get3A_640 = arith.constant 64 : index
      %get3A_641 = tpu.vector_load %arg8[%get3A_639, %get3A_640] {strides = array<i32>} : memref<64x128xf32, #tpu.memory_space<vmem>>, vector<1x16xf32>,
      %get3A_642 = vector.shape_cast %get3A_641 : vector<1x16xf32> to vector<16xf32>
      %swap3A_643 = arith.index_cast %add3A_636 : i32 to index
      %swap3A_644 = arith.constant 64 : index
      %swap3A_645 = tpu.vector_load %arg7[%swap3A_643, %swap3A_644] {strides = array<i32>} : memref<256x128xf32, #tpu.memory_space<vmem>>, vector<1x16xf32>,
      %swap3A_646 = vector.shape_cast %swap3A_645 : vector<1x16xf32> to vector<16xf32>
      %swap3A_647 = vector.shape_cast %get3A_642 : vector<16xf32> to vector<1x16xf32>
      tpu.vector_store %arg7[%swap3A_643, %swap3A_644], %swap3A_647 {add = true, strides = array<i32>} : memref<256x128xf32, #tpu.memory_space<vmem>>, vector<1x16xf32>,
      %add3A_648 = arith.constant 32 : i32
      %add3A_649 = arith.addi %add3A_648, %scan3A_584 : i32
      %add3A_650 = arith.constant 32 : i32
      %add3A_651 = arith.addi %add3A_650, %scan3A_584 : i32
      %get3A_652 = arith.index_cast %add3A_651 : i32 to index
      %get3A_653 = arith.constant 80 : index
      %get3A_654 = tpu.vector_load %arg8[%get3A_652, %get3A_653] {strides = array<i32>} : memref<64x128xf32, #tpu.memory_space<vmem>>, vector<1x16xf32>,
      %get3A_655 = vector.shape_cast %get3A_654 : vector<1x16xf32> to vector<16xf32>
      %swap3A_656 = arith.index_cast %add3A_649 : i32 to index
      %swap3A_657 = arith.constant 80 : index
      %swap3A_658 = tpu.vector_load %arg7[%swap3A_656, %swap3A_657] {strides = array<i32>} : memref<256x128xf32, #tpu.memory_space<vmem>>, vector<1x16xf32>,
      %swap3A_659 = vector.shape_cast %swap3A_658 : vector<1x16xf32> to vector<16xf32>
      %swap3A_660 = vector.shape_cast %get3A_655 : vector<16xf32> to vector<1x16xf32>
      tpu.vector_store %arg7[%swap3A_656, %swap3A_657], %swap3A_660 {add = true, strides = array<i32>} : memref<256x128xf32, #tpu.memory_space<vmem>>, vector<1x16xf32>,
      %add3A_661 = arith.constant 32 : i32
      %add3A_662 = arith.addi %add3A_661, %scan3A_584 : i32
      %add3A_663 = arith.constant 32 : i32
      %add3A_664 = arith.addi %add3A_663, %scan3A_584 : i32
      %get3A_665 = arith.index_cast %add3A_664 : i32 to index
      %get3A_666 = arith.constant 96 : index
      %get3A_667 = tpu.vector_load %arg8[%get3A_665, %get3A_666] {strides = array<i32>} : memref<64x128xf32, #tpu.memory_space<vmem>>, vector<1x16xf32>,
      %get3A_668 = vector.shape_cast %get3A_667 : vector<1x16xf32> to vector<16xf32>
      %swap3A_669 = arith.index_cast %add3A_662 : i32 to index
      %swap3A_670 = arith.constant 96 : index
      %swap3A_671 = tpu.vector_load %arg7[%swap3A_669, %swap3A_670] {strides = array<i32>} : memref<256x128xf32, #tpu.memory_space<vmem>>, vector<1x16xf32>,
      %swap3A_672 = vector.shape_cast %swap3A_671 : vector<1x16xf32> to vector<16xf32>
      %swap3A_673 = vector.shape_cast %get3A_668 : vector<16xf32> to vector<1x16xf32>
      tpu.vector_store %arg7[%swap3A_669, %swap3A_670], %swap3A_673 {add = true, strides = array<i32>} : memref<256x128xf32, #tpu.memory_space<vmem>>, vector<1x16xf32>,
      %add3A_674 = arith.constant 32 : i32
      %add3A_675 = arith.addi %add3A_674, %scan3A_584 : i32
      %add3A_676 = arith.constant 32 : i32
      %add3A_677 = arith.addi %add3A_676, %scan3A_584 : i32
      %get3A_678 = arith.index_cast %add3A_677 : i32 to index
      %get3A_679 = arith.constant 112 : index
      %get3A_680 = tpu.vector_load %arg8[%get3A_678, %get3A_679] {strides = array<i32>} : memref<64x128xf32, #tpu.memory_space<vmem>>, vector<1x16xf32>,
      %get3A_681 = vector.shape_cast %get3A_680 : vector<1x16xf32> to vector<16xf32>
      %swap3A_682 = arith.index_cast %add3A_675 : i32 to index
      %swap3A_683 = arith.constant 112 : index
      %swap3A_684 = tpu.vector_load %arg7[%swap3A_682, %swap3A_683] {strides = array<i32>} : memref<256x128xf32, #tpu.memory_space<vmem>>, vector<1x16xf32>,
      %swap3A_685 = vector.shape_cast %swap3A_684 : vector<1x16xf32> to vector<16xf32>
      %swap3A_686 = vector.shape_cast %get3A_681 : vector<16xf32> to vector<1x16xf32>
      tpu.vector_store %arg7[%swap3A_682, %swap3A_683], %swap3A_686 {add = true, strides = array<i32>} : memref<256x128xf32, #tpu.memory_space<vmem>>, vector<1x16xf32>,
    }
    %scan3A_258 = arith.constant 32 : i32
    %add3A_259 = arith.constant 32 : i32
    %add3A_260 = arith.addi %mul3A_2, %add3A_259 : i32
    %dma_start3A_261 = arith.constant 0 : i32
    %dma_start3A_262 = arith.constant 32 : i32
    %dma_start3A_263 = arith.constant 0 : i32
    %dma_start3A_264 = tpu.memref_slice %arg7[%dma_start3A_262, %dma_start3A_263] : memref<256x128xf32, #tpu.memory_space<vmem>> -> memref<32x128xf32, #tpu.memory_space<vmem>>
    %dma_start3A_265 = arith.constant 0 : i32
    %dma_start3A_266 = tpu.memref_slice %arg5[%dma_start3A_261, %add3A_260, %dma_start3A_265] : memref<4x2048x128xf32, #tpu.memory_space<hbm>> -> memref<1x32x128xf32, #tpu.memory_space<hbm>>
    %dma_start3A_267 = tpu.memref_squeeze %dma_start3A_266 : memref<1x32x128xf32, #tpu.memory_space<hbm>> -> memref<32x128xf32, #tpu.memory_space<hbm>>
    %dma_start3A_268 = arith.constant 0 : i32
    %dma_start3A_269 = tpu.memref_slice %arg5[%dma_start3A_261, %add3A_260, %dma_start3A_268] : memref<4x2048x128xf32, #tpu.memory_space<hbm>> -> memref<1x32x128xf32, #tpu.memory_space<hbm>>
    %dma_start3A_270 = tpu.memref_squeeze %dma_start3A_269 : memref<1x32x128xf32, #tpu.memory_space<hbm>> -> memref<32x128xf32, #tpu.memory_space<hbm>>
    %dma_start3A_271 = arith.constant 32 : i32
    %dma_start3A_272 = arith.constant 0 : i32
    %dma_start3A_273 = tpu.memref_slice %arg7[%dma_start3A_271, %dma_start3A_272] : memref<256x128xf32, #tpu.memory_space<vmem>> -> memref<32x128xf32, #tpu.memory_space<vmem>>
    tpu.enqueue_dma source(%dma_start3A_273 : memref<32x128xf32, #tpu.memory_space<vmem>>) target(%dma_start3A_270 : memref<32x128xf32, #tpu.memory_space<hbm>>) target_semaphore(%arg10 : memref<!tpu.dma_semaphore, #tpu.memory_space<semaphore_mem>>)
    %dma_wait3A_274 = arith.constant 1 : i32
    %dma_wait3A_275 = arith.constant 64 : i32
    %dma_wait3A_276 = arith.constant 0 : i32
    %dma_wait3A_277 = tpu.memref_slice %arg7[%dma_wait3A_275, %dma_wait3A_276] : memref<256x128xf32, #tpu.memory_space<vmem>> -> memref<32x128xf32, #tpu.memory_space<vmem>>
    %dma_wait3A_278 = arith.constant 0 : i32
    %dma_wait3A_279 = tpu.memref_slice %arg6[%dma_wait3A_274, %dma_wait3A_278] : memref<4x64xi32, #tpu.memory_space<vmem>> -> memref<1x32xi32, #tpu.memory_space<vmem>>
    %dma_wait3A_280 = tpu.memref_squeeze %dma_wait3A_279 : memref<1x32xi32, #tpu.memory_space<vmem>> -> memref<32xi32, #tpu.memory_space<vmem>>
    %dma_wait3A_281 = arith.constant 0 : i32
    %dma_wait3A_282 = arith.constant 0 : i32
    %dma_wait3A_283 = tpu.memref_slice %arg3[%dma_wait3A_281, %dma_wait3A_282] : memref<1000001x128xf32, #tpu.memory_space<hbm>> -> memref<1000001x128xf32, #tpu.memory_space<hbm>>
    tpu.wait_indirect_dma semaphore(%arg13 : memref<!tpu.dma_semaphore, #tpu.memory_space<semaphore_mem>>) src(%dma_wait3A_283 : memref<1000001x128xf32, #tpu.memory_space<hbm>>) dst(%dma_wait3A_277 : memref<32x128xf32, #tpu.memory_space<vmem>>)
    %dma_start3A_284 = arith.constant 3 : i32
    %dma_start3A_285 = arith.constant 192 : i32
    %dma_start3A_286 = arith.constant 0 : i32
    %dma_start3A_287 = tpu.memref_slice %arg7[%dma_start3A_285, %dma_start3A_286] : memref<256x128xf32, #tpu.memory_space<vmem>> -> memref<32x128xf32, #tpu.memory_space<vmem>>
    %dma_start3A_288 = arith.constant 0 : i32
    %dma_start3A_289 = tpu.memref_slice %arg6[%dma_start3A_284, %dma_start3A_288] : memref<4x64xi32, #tpu.memory_space<vmem>> -> memref<1x32xi32, #tpu.memory_space<vmem>>
    %dma_start3A_290 = tpu.memref_squeeze %dma_start3A_289 : memref<1x32xi32, #tpu.memory_space<vmem>> -> memref<32xi32, #tpu.memory_space<vmem>>
    %dma_start3A_291 = arith.constant 0 : i32
    %dma_start3A_292 = arith.constant 0 : i32
    %dma_start3A_293 = tpu.memref_slice %arg3[%dma_start3A_291, %dma_start3A_292] : memref<1000001x128xf32, #tpu.memory_space<hbm>> -> memref<1000001x128xf32, #tpu.memory_space<hbm>>
    tpu.enqueue_indirect_dma source(%dma_start3A_293 : memref<1000001x128xf32, #tpu.memory_space<hbm>>) target(%dma_start3A_287 : memref<32x128xf32, #tpu.memory_space<vmem>>) offsets(%dma_start3A_290 : memref<32xi32, #tpu.memory_space<vmem>>) semaphore(%arg13 : memref<!tpu.dma_semaphore, #tpu.memory_space<semaphore_mem>>)
    %scan3A_294 = arith.constant 0 : i32
    %scan3A_295 = arith.constant 0 : i32
    %scan3A_296 = arith.constant 32 : i32
    %scan3A_297 = arith.addi %scan3A_295, %scan3A_296 : i32
    %scan3A_298 = arith.constant 1 : i32
    scf.for %scan3A_584 = %scan3A_295 to %scan3A_297 step %scan3A_298  : i32 {
      %add3A_585 = arith.constant 64 : i32
      %add3A_586 = arith.addi %add3A_585, %scan3A_584 : i32
      %add3A_587 = arith.constant 0 : i32
      %add3A_588 = arith.addi %add3A_587, %scan3A_584 : i32
      %get3A = arith.index_cast %add3A_588 : i32 to index
      %get3A_589 = arith.constant 0 : index
      %get3A_590 = tpu.vector_load %arg8[%get3A, %get3A_589] {strides = array<i32>} : memref<64x128xf32, #tpu.memory_space<vmem>>, vector<1x16xf32>,
      %get3A_591 = vector.shape_cast %get3A_590 : vector<1x16xf32> to vector<16xf32>
      %swap3A = arith.index_cast %add3A_586 : i32 to index
      %swap3A_592 = arith.constant 0 : index
      %swap3A_593 = tpu.vector_load %arg7[%swap3A, %swap3A_592] {strides = array<i32>} : memref<256x128xf32, #tpu.memory_space<vmem>>, vector<1x16xf32>,
      %swap3A_594 = vector.shape_cast %swap3A_593 : vector<1x16xf32> to vector<16xf32>
      %swap3A_595 = vector.shape_cast %get3A_591 : vector<16xf32> to vector<1x16xf32>
      tpu.vector_store %arg7[%swap3A, %swap3A_592], %swap3A_595 {add = true, strides = array<i32>} : memref<256x128xf32, #tpu.memory_space<vmem>>, vector<1x16xf32>,
      %add3A_596 = arith.constant 64 : i32
      %add3A_597 = arith.addi %add3A_596, %scan3A_584 : i32
      %add3A_598 = arith.constant 0 : i32
      %add3A_599 = arith.addi %add3A_598, %scan3A_584 : i32
      %get3A_600 = arith.index_cast %add3A_599 : i32 to index
      %get3A_601 = arith.constant 16 : index
      %get3A_602 = tpu.vector_load %arg8[%get3A_600, %get3A_601] {strides = array<i32>} : memref<64x128xf32, #tpu.memory_space<vmem>>, vector<1x16xf32>,
      %get3A_603 = vector.shape_cast %get3A_602 : vector<1x16xf32> to vector<16xf32>
      %swap3A_604 = arith.index_cast %add3A_597 : i32 to index
      %swap3A_605 = arith.constant 16 : index
      %swap3A_606 = tpu.vector_load %arg7[%swap3A_604, %swap3A_605] {strides = array<i32>} : memref<256x128xf32, #tpu.memory_space<vmem>>, vector<1x16xf32>,
      %swap3A_607 = vector.shape_cast %swap3A_606 : vector<1x16xf32> to vector<16xf32>
      %swap3A_608 = vector.shape_cast %get3A_603 : vector<16xf32> to vector<1x16xf32>
      tpu.vector_store %arg7[%swap3A_604, %swap3A_605], %swap3A_608 {add = true, strides = array<i32>} : memref<256x128xf32, #tpu.memory_space<vmem>>, vector<1x16xf32>,
      %add3A_609 = arith.constant 64 : i32
      %add3A_610 = arith.addi %add3A_609, %scan3A_584 : i32
      %add3A_611 = arith.constant 0 : i32
      %add3A_612 = arith.addi %add3A_611, %scan3A_584 : i32
      %get3A_613 = arith.index_cast %add3A_612 : i32 to index
      %get3A_614 = arith.constant 32 : index
      %get3A_615 = tpu.vector_load %arg8[%get3A_613, %get3A_614] {strides = array<i32>} : memref<64x128xf32, #tpu.memory_space<vmem>>, vector<1x16xf32>,
      %get3A_616 = vector.shape_cast %get3A_615 : vector<1x16xf32> to vector<16xf32>
      %swap3A_617 = arith.index_cast %add3A_610 : i32 to index
      %swap3A_618 = arith.constant 32 : index
      %swap3A_619 = tpu.vector_load %arg7[%swap3A_617, %swap3A_618] {strides = array<i32>} : memref<256x128xf32, #tpu.memory_space<vmem>>, vector<1x16xf32>,
      %swap3A_620 = vector.shape_cast %swap3A_619 : vector<1x16xf32> to vector<16xf32>
      %swap3A_621 = vector.shape_cast %get3A_616 : vector<16xf32> to vector<1x16xf32>
      tpu.vector_store %arg7[%swap3A_617, %swap3A_618], %swap3A_621 {add = true, strides = array<i32>} : memref<256x128xf32, #tpu.memory_space<vmem>>, vector<1x16xf32>,
      %add3A_622 = arith.constant 64 : i32
      %add3A_623 = arith.addi %add3A_622, %scan3A_584 : i32
      %add3A_624 = arith.constant 0 : i32
      %add3A_625 = arith.addi %add3A_624, %scan3A_584 : i32
      %get3A_626 = arith.index_cast %add3A_625 : i32 to index
      %get3A_627 = arith.constant 48 : index
      %get3A_628 = tpu.vector_load %arg8[%get3A_626, %get3A_627] {strides = array<i32>} : memref<64x128xf32, #tpu.memory_space<vmem>>, vector<1x16xf32>,
      %get3A_629 = vector.shape_cast %get3A_628 : vector<1x16xf32> to vector<16xf32>
      %swap3A_630 = arith.index_cast %add3A_623 : i32 to index
      %swap3A_631 = arith.constant 48 : index
      %swap3A_632 = tpu.vector_load %arg7[%swap3A_630, %swap3A_631] {strides = array<i32>} : memref<256x128xf32, #tpu.memory_space<vmem>>, vector<1x16xf32>,
      %swap3A_633 = vector.shape_cast %swap3A_632 : vector<1x16xf32> to vector<16xf32>
      %swap3A_634 = vector.shape_cast %get3A_629 : vector<16xf32> to vector<1x16xf32>
      tpu.vector_store %arg7[%swap3A_630, %swap3A_631], %swap3A_634 {add = true, strides = array<i32>} : memref<256x128xf32, #tpu.memory_space<vmem>>, vector<1x16xf32>,
      %add3A_635 = arith.constant 64 : i32
      %add3A_636 = arith.addi %add3A_635, %scan3A_584 : i32
      %add3A_637 = arith.constant 0 : i32
      %add3A_638 = arith.addi %add3A_637, %scan3A_584 : i32
      %get3A_639 = arith.index_cast %add3A_638 : i32 to index
      %get3A_640 = arith.constant 64 : index
      %get3A_641 = tpu.vector_load %arg8[%get3A_639, %get3A_640] {strides = array<i32>} : memref<64x128xf32, #tpu.memory_space<vmem>>, vector<1x16xf32>,
      %get3A_642 = vector.shape_cast %get3A_641 : vector<1x16xf32> to vector<16xf32>
      %swap3A_643 = arith.index_cast %add3A_636 : i32 to index
      %swap3A_644 = arith.constant 64 : index
      %swap3A_645 = tpu.vector_load %arg7[%swap3A_643, %swap3A_644] {strides = array<i32>} : memref<256x128xf32, #tpu.memory_space<vmem>>, vector<1x16xf32>,
      %swap3A_646 = vector.shape_cast %swap3A_645 : vector<1x16xf32> to vector<16xf32>
      %swap3A_647 = vector.shape_cast %get3A_642 : vector<16xf32> to vector<1x16xf32>
      tpu.vector_store %arg7[%swap3A_643, %swap3A_644], %swap3A_647 {add = true, strides = array<i32>} : memref<256x128xf32, #tpu.memory_space<vmem>>, vector<1x16xf32>,
      %add3A_648 = arith.constant 64 : i32
      %add3A_649 = arith.addi %add3A_648, %scan3A_584 : i32
      %add3A_650 = arith.constant 0 : i32
      %add3A_651 = arith.addi %add3A_650, %scan3A_584 : i32
      %get3A_652 = arith.index_cast %add3A_651 : i32 to index
      %get3A_653 = arith.constant 80 : index
      %get3A_654 = tpu.vector_load %arg8[%get3A_652, %get3A_653] {strides = array<i32>} : memref<64x128xf32, #tpu.memory_space<vmem>>, vector<1x16xf32>,
      %get3A_655 = vector.shape_cast %get3A_654 : vector<1x16xf32> to vector<16xf32>
      %swap3A_656 = arith.index_cast %add3A_649 : i32 to index
      %swap3A_657 = arith.constant 80 : index
      %swap3A_658 = tpu.vector_load %arg7[%swap3A_656, %swap3A_657] {strides = array<i32>} : memref<256x128xf32, #tpu.memory_space<vmem>>, vector<1x16xf32>,
      %swap3A_659 = vector.shape_cast %swap3A_658 : vector<1x16xf32> to vector<16xf32>
      %swap3A_660 = vector.shape_cast %get3A_655 : vector<16xf32> to vector<1x16xf32>
      tpu.vector_store %arg7[%swap3A_656, %swap3A_657], %swap3A_660 {add = true, strides = array<i32>} : memref<256x128xf32, #tpu.memory_space<vmem>>, vector<1x16xf32>,
      %add3A_661 = arith.constant 64 : i32
      %add3A_662 = arith.addi %add3A_661, %scan3A_584 : i32
      %add3A_663 = arith.constant 0 : i32
      %add3A_664 = arith.addi %add3A_663, %scan3A_584 : i32
      %get3A_665 = arith.index_cast %add3A_664 : i32 to index
      %get3A_666 = arith.constant 96 : index
      %get3A_667 = tpu.vector_load %arg8[%get3A_665, %get3A_666] {strides = array<i32>} : memref<64x128xf32, #tpu.memory_space<vmem>>, vector<1x16xf32>,
      %get3A_668 = vector.shape_cast %get3A_667 : vector<1x16xf32> to vector<16xf32>
      %swap3A_669 = arith.index_cast %add3A_662 : i32 to index
      %swap3A_670 = arith.constant 96 : index
      %swap3A_671 = tpu.vector_load %arg7[%swap3A_669, %swap3A_670] {strides = array<i32>} : memref<256x128xf32, #tpu.memory_space<vmem>>, vector<1x16xf32>,
      %swap3A_672 = vector.shape_cast %swap3A_671 : vector<1x16xf32> to vector<16xf32>
      %swap3A_673 = vector.shape_cast %get3A_668 : vector<16xf32> to vector<1x16xf32>
      tpu.vector_store %arg7[%swap3A_669, %swap3A_670], %swap3A_673 {add = true, strides = array<i32>} : memref<256x128xf32, #tpu.memory_space<vmem>>, vector<1x16xf32>,
      %add3A_674 = arith.constant 64 : i32
      %add3A_675 = arith.addi %add3A_674, %scan3A_584 : i32
      %add3A_676 = arith.constant 0 : i32
      %add3A_677 = arith.addi %add3A_676, %scan3A_584 : i32
      %get3A_678 = arith.index_cast %add3A_677 : i32 to index
      %get3A_679 = arith.constant 112 : index
      %get3A_680 = tpu.vector_load %arg8[%get3A_678, %get3A_679] {strides = array<i32>} : memref<64x128xf32, #tpu.memory_space<vmem>>, vector<1x16xf32>,
      %get3A_681 = vector.shape_cast %get3A_680 : vector<1x16xf32> to vector<16xf32>
      %swap3A_682 = arith.index_cast %add3A_675 : i32 to index
      %swap3A_683 = arith.constant 112 : index
      %swap3A_684 = tpu.vector_load %arg7[%swap3A_682, %swap3A_683] {strides = array<i32>} : memref<256x128xf32, #tpu.memory_space<vmem>>, vector<1x16xf32>,
      %swap3A_685 = vector.shape_cast %swap3A_684 : vector<1x16xf32> to vector<16xf32>
      %swap3A_686 = vector.shape_cast %get3A_681 : vector<16xf32> to vector<1x16xf32>
      tpu.vector_store %arg7[%swap3A_682, %swap3A_683], %swap3A_686 {add = true, strides = array<i32>} : memref<256x128xf32, #tpu.memory_space<vmem>>, vector<1x16xf32>,
    }
    %scan3A_299 = arith.constant 32 : i32
    %add3A_300 = arith.constant 0 : i32
    %add3A_301 = arith.addi %mul3A_2, %add3A_300 : i32
    %dma_start3A_302 = arith.constant 1 : i32
    %dma_start3A_303 = arith.constant 64 : i32
    %dma_start3A_304 = arith.constant 0 : i32
    %dma_start3A_305 = tpu.memref_slice %arg7[%dma_start3A_303, %dma_start3A_304] : memref<256x128xf32, #tpu.memory_space<vmem>> -> memref<32x128xf32, #tpu.memory_space<vmem>>
    %dma_start3A_306 = arith.constant 0 : i32
    %dma_start3A_307 = tpu.memref_slice %arg5[%dma_start3A_302, %add3A_301, %dma_start3A_306] : memref<4x2048x128xf32, #tpu.memory_space<hbm>> -> memref<1x32x128xf32, #tpu.memory_space<hbm>>
    %dma_start3A_308 = tpu.memref_squeeze %dma_start3A_307 : memref<1x32x128xf32, #tpu.memory_space<hbm>> -> memref<32x128xf32, #tpu.memory_space<hbm>>
    %dma_start3A_309 = arith.constant 0 : i32
    %dma_start3A_310 = tpu.memref_slice %arg5[%dma_start3A_302, %add3A_301, %dma_start3A_309] : memref<4x2048x128xf32, #tpu.memory_space<hbm>> -> memref<1x32x128xf32, #tpu.memory_space<hbm>>
    %dma_start3A_311 = tpu.memref_squeeze %dma_start3A_310 : memref<1x32x128xf32, #tpu.memory_space<hbm>> -> memref<32x128xf32, #tpu.memory_space<hbm>>
    %dma_start3A_312 = arith.constant 64 : i32
    %dma_start3A_313 = arith.constant 0 : i32
    %dma_start3A_314 = tpu.memref_slice %arg7[%dma_start3A_312, %dma_start3A_313] : memref<256x128xf32, #tpu.memory_space<vmem>> -> memref<32x128xf32, #tpu.memory_space<vmem>>
    tpu.enqueue_dma source(%dma_start3A_314 : memref<32x128xf32, #tpu.memory_space<vmem>>) target(%dma_start3A_311 : memref<32x128xf32, #tpu.memory_space<hbm>>) target_semaphore(%arg10 : memref<!tpu.dma_semaphore, #tpu.memory_space<semaphore_mem>>)
    %dma_wait3A_315 = arith.constant 1 : i32
    %dma_wait3A_316 = arith.constant 96 : i32
    %dma_wait3A_317 = arith.constant 0 : i32
    %dma_wait3A_318 = tpu.memref_slice %arg7[%dma_wait3A_316, %dma_wait3A_317] : memref<256x128xf32, #tpu.memory_space<vmem>> -> memref<32x128xf32, #tpu.memory_space<vmem>>
    %dma_wait3A_319 = arith.constant 32 : i32
    %dma_wait3A_320 = tpu.memref_slice %arg6[%dma_wait3A_315, %dma_wait3A_319] : memref<4x64xi32, #tpu.memory_space<vmem>> -> memref<1x32xi32, #tpu.memory_space<vmem>>
    %dma_wait3A_321 = tpu.memref_squeeze %dma_wait3A_320 : memref<1x32xi32, #tpu.memory_space<vmem>> -> memref<32xi32, #tpu.memory_space<vmem>>
    %dma_wait3A_322 = arith.constant 0 : i32
    %dma_wait3A_323 = arith.constant 0 : i32
    %dma_wait3A_324 = tpu.memref_slice %arg3[%dma_wait3A_322, %dma_wait3A_323] : memref<1000001x128xf32, #tpu.memory_space<hbm>> -> memref<1000001x128xf32, #tpu.memory_space<hbm>>
    tpu.wait_indirect_dma semaphore(%arg14 : memref<!tpu.dma_semaphore, #tpu.memory_space<semaphore_mem>>) src(%dma_wait3A_324 : memref<1000001x128xf32, #tpu.memory_space<hbm>>) dst(%dma_wait3A_318 : memref<32x128xf32, #tpu.memory_space<vmem>>)
    %dma_start3A_325 = arith.constant 3 : i32
    %dma_start3A_326 = arith.constant 224 : i32
    %dma_start3A_327 = arith.constant 0 : i32
    %dma_start3A_328 = tpu.memref_slice %arg7[%dma_start3A_326, %dma_start3A_327] : memref<256x128xf32, #tpu.memory_space<vmem>> -> memref<32x128xf32, #tpu.memory_space<vmem>>
    %dma_start3A_329 = arith.constant 32 : i32
    %dma_start3A_330 = tpu.memref_slice %arg6[%dma_start3A_325, %dma_start3A_329] : memref<4x64xi32, #tpu.memory_space<vmem>> -> memref<1x32xi32, #tpu.memory_space<vmem>>
    %dma_start3A_331 = tpu.memref_squeeze %dma_start3A_330 : memref<1x32xi32, #tpu.memory_space<vmem>> -> memref<32xi32, #tpu.memory_space<vmem>>
    %dma_start3A_332 = arith.constant 0 : i32
    %dma_start3A_333 = arith.constant 0 : i32
    %dma_start3A_334 = tpu.memref_slice %arg3[%dma_start3A_332, %dma_start3A_333] : memref<1000001x128xf32, #tpu.memory_space<hbm>> -> memref<1000001x128xf32, #tpu.memory_space<hbm>>
    tpu.enqueue_indirect_dma source(%dma_start3A_334 : memref<1000001x128xf32, #tpu.memory_space<hbm>>) target(%dma_start3A_328 : memref<32x128xf32, #tpu.memory_space<vmem>>) offsets(%dma_start3A_331 : memref<32xi32, #tpu.memory_space<vmem>>) semaphore(%arg14 : memref<!tpu.dma_semaphore, #tpu.memory_space<semaphore_mem>>)
    %scan3A_335 = arith.constant 0 : i32
    %scan3A_336 = arith.constant 0 : i32
    %scan3A_337 = arith.constant 32 : i32
    %scan3A_338 = arith.addi %scan3A_336, %scan3A_337 : i32
    %scan3A_339 = arith.constant 1 : i32
    scf.for %scan3A_584 = %scan3A_336 to %scan3A_338 step %scan3A_339  : i32 {
      %add3A_585 = arith.constant 96 : i32
      %add3A_586 = arith.addi %add3A_585, %scan3A_584 : i32
      %add3A_587 = arith.constant 32 : i32
      %add3A_588 = arith.addi %add3A_587, %scan3A_584 : i32
      %get3A = arith.index_cast %add3A_588 : i32 to index
      %get3A_589 = arith.constant 0 : index
      %get3A_590 = tpu.vector_load %arg8[%get3A, %get3A_589] {strides = array<i32>} : memref<64x128xf32, #tpu.memory_space<vmem>>, vector<1x16xf32>,
      %get3A_591 = vector.shape_cast %get3A_590 : vector<1x16xf32> to vector<16xf32>
      %swap3A = arith.index_cast %add3A_586 : i32 to index
      %swap3A_592 = arith.constant 0 : index
      %swap3A_593 = tpu.vector_load %arg7[%swap3A, %swap3A_592] {strides = array<i32>} : memref<256x128xf32, #tpu.memory_space<vmem>>, vector<1x16xf32>,
      %swap3A_594 = vector.shape_cast %swap3A_593 : vector<1x16xf32> to vector<16xf32>
      %swap3A_595 = vector.shape_cast %get3A_591 : vector<16xf32> to vector<1x16xf32>
      tpu.vector_store %arg7[%swap3A, %swap3A_592], %swap3A_595 {add = true, strides = array<i32>} : memref<256x128xf32, #tpu.memory_space<vmem>>, vector<1x16xf32>,
      %add3A_596 = arith.constant 96 : i32
      %add3A_597 = arith.addi %add3A_596, %scan3A_584 : i32
      %add3A_598 = arith.constant 32 : i32
      %add3A_599 = arith.addi %add3A_598, %scan3A_584 : i32
      %get3A_600 = arith.index_cast %add3A_599 : i32 to index
      %get3A_601 = arith.constant 16 : index
      %get3A_602 = tpu.vector_load %arg8[%get3A_600, %get3A_601] {strides = array<i32>} : memref<64x128xf32, #tpu.memory_space<vmem>>, vector<1x16xf32>,
      %get3A_603 = vector.shape_cast %get3A_602 : vector<1x16xf32> to vector<16xf32>
      %swap3A_604 = arith.index_cast %add3A_597 : i32 to index
      %swap3A_605 = arith.constant 16 : index
      %swap3A_606 = tpu.vector_load %arg7[%swap3A_604, %swap3A_605] {strides = array<i32>} : memref<256x128xf32, #tpu.memory_space<vmem>>, vector<1x16xf32>,
      %swap3A_607 = vector.shape_cast %swap3A_606 : vector<1x16xf32> to vector<16xf32>
      %swap3A_608 = vector.shape_cast %get3A_603 : vector<16xf32> to vector<1x16xf32>
      tpu.vector_store %arg7[%swap3A_604, %swap3A_605], %swap3A_608 {add = true, strides = array<i32>} : memref<256x128xf32, #tpu.memory_space<vmem>>, vector<1x16xf32>,
      %add3A_609 = arith.constant 96 : i32
      %add3A_610 = arith.addi %add3A_609, %scan3A_584 : i32
      %add3A_611 = arith.constant 32 : i32
      %add3A_612 = arith.addi %add3A_611, %scan3A_584 : i32
      %get3A_613 = arith.index_cast %add3A_612 : i32 to index
      %get3A_614 = arith.constant 32 : index
      %get3A_615 = tpu.vector_load %arg8[%get3A_613, %get3A_614] {strides = array<i32>} : memref<64x128xf32, #tpu.memory_space<vmem>>, vector<1x16xf32>,
      %get3A_616 = vector.shape_cast %get3A_615 : vector<1x16xf32> to vector<16xf32>
      %swap3A_617 = arith.index_cast %add3A_610 : i32 to index
      %swap3A_618 = arith.constant 32 : index
      %swap3A_619 = tpu.vector_load %arg7[%swap3A_617, %swap3A_618] {strides = array<i32>} : memref<256x128xf32, #tpu.memory_space<vmem>>, vector<1x16xf32>,
      %swap3A_620 = vector.shape_cast %swap3A_619 : vector<1x16xf32> to vector<16xf32>
      %swap3A_621 = vector.shape_cast %get3A_616 : vector<16xf32> to vector<1x16xf32>
      tpu.vector_store %arg7[%swap3A_617, %swap3A_618], %swap3A_621 {add = true, strides = array<i32>} : memref<256x128xf32, #tpu.memory_space<vmem>>, vector<1x16xf32>,
      %add3A_622 = arith.constant 96 : i32
      %add3A_623 = arith.addi %add3A_622, %scan3A_584 : i32
      %add3A_624 = arith.constant 32 : i32
      %add3A_625 = arith.addi %add3A_624, %scan3A_584 : i32
      %get3A_626 = arith.index_cast %add3A_625 : i32 to index
      %get3A_627 = arith.constant 48 : index
      %get3A_628 = tpu.vector_load %arg8[%get3A_626, %get3A_627] {strides = array<i32>} : memref<64x128xf32, #tpu.memory_space<vmem>>, vector<1x16xf32>,
      %get3A_629 = vector.shape_cast %get3A_628 : vector<1x16xf32> to vector<16xf32>
      %swap3A_630 = arith.index_cast %add3A_623 : i32 to index
      %swap3A_631 = arith.constant 48 : index
      %swap3A_632 = tpu.vector_load %arg7[%swap3A_630, %swap3A_631] {strides = array<i32>} : memref<256x128xf32, #tpu.memory_space<vmem>>, vector<1x16xf32>,
      %swap3A_633 = vector.shape_cast %swap3A_632 : vector<1x16xf32> to vector<16xf32>
      %swap3A_634 = vector.shape_cast %get3A_629 : vector<16xf32> to vector<1x16xf32>
      tpu.vector_store %arg7[%swap3A_630, %swap3A_631], %swap3A_634 {add = true, strides = array<i32>} : memref<256x128xf32, #tpu.memory_space<vmem>>, vector<1x16xf32>,
      %add3A_635 = arith.constant 96 : i32
      %add3A_636 = arith.addi %add3A_635, %scan3A_584 : i32
      %add3A_637 = arith.constant 32 : i32
      %add3A_638 = arith.addi %add3A_637, %scan3A_584 : i32
      %get3A_639 = arith.index_cast %add3A_638 : i32 to index
      %get3A_640 = arith.constant 64 : index
      %get3A_641 = tpu.vector_load %arg8[%get3A_639, %get3A_640] {strides = array<i32>} : memref<64x128xf32, #tpu.memory_space<vmem>>, vector<1x16xf32>,
      %get3A_642 = vector.shape_cast %get3A_641 : vector<1x16xf32> to vector<16xf32>
      %swap3A_643 = arith.index_cast %add3A_636 : i32 to index
      %swap3A_644 = arith.constant 64 : index
      %swap3A_645 = tpu.vector_load %arg7[%swap3A_643, %swap3A_644] {strides = array<i32>} : memref<256x128xf32, #tpu.memory_space<vmem>>, vector<1x16xf32>,
      %swap3A_646 = vector.shape_cast %swap3A_645 : vector<1x16xf32> to vector<16xf32>
      %swap3A_647 = vector.shape_cast %get3A_642 : vector<16xf32> to vector<1x16xf32>
      tpu.vector_store %arg7[%swap3A_643, %swap3A_644], %swap3A_647 {add = true, strides = array<i32>} : memref<256x128xf32, #tpu.memory_space<vmem>>, vector<1x16xf32>,
      %add3A_648 = arith.constant 96 : i32
      %add3A_649 = arith.addi %add3A_648, %scan3A_584 : i32
      %add3A_650 = arith.constant 32 : i32
      %add3A_651 = arith.addi %add3A_650, %scan3A_584 : i32
      %get3A_652 = arith.index_cast %add3A_651 : i32 to index
      %get3A_653 = arith.constant 80 : index
      %get3A_654 = tpu.vector_load %arg8[%get3A_652, %get3A_653] {strides = array<i32>} : memref<64x128xf32, #tpu.memory_space<vmem>>, vector<1x16xf32>,
      %get3A_655 = vector.shape_cast %get3A_654 : vector<1x16xf32> to vector<16xf32>
      %swap3A_656 = arith.index_cast %add3A_649 : i32 to index
      %swap3A_657 = arith.constant 80 : index
      %swap3A_658 = tpu.vector_load %arg7[%swap3A_656, %swap3A_657] {strides = array<i32>} : memref<256x128xf32, #tpu.memory_space<vmem>>, vector<1x16xf32>,
      %swap3A_659 = vector.shape_cast %swap3A_658 : vector<1x16xf32> to vector<16xf32>
      %swap3A_660 = vector.shape_cast %get3A_655 : vector<16xf32> to vector<1x16xf32>
      tpu.vector_store %arg7[%swap3A_656, %swap3A_657], %swap3A_660 {add = true, strides = array<i32>} : memref<256x128xf32, #tpu.memory_space<vmem>>, vector<1x16xf32>,
      %add3A_661 = arith.constant 96 : i32
      %add3A_662 = arith.addi %add3A_661, %scan3A_584 : i32
      %add3A_663 = arith.constant 32 : i32
      %add3A_664 = arith.addi %add3A_663, %scan3A_584 : i32
      %get3A_665 = arith.index_cast %add3A_664 : i32 to index
      %get3A_666 = arith.constant 96 : index
      %get3A_667 = tpu.vector_load %arg8[%get3A_665, %get3A_666] {strides = array<i32>} : memref<64x128xf32, #tpu.memory_space<vmem>>, vector<1x16xf32>,
      %get3A_668 = vector.shape_cast %get3A_667 : vector<1x16xf32> to vector<16xf32>
      %swap3A_669 = arith.index_cast %add3A_662 : i32 to index
      %swap3A_670 = arith.constant 96 : index
      %swap3A_671 = tpu.vector_load %arg7[%swap3A_669, %swap3A_670] {strides = array<i32>} : memref<256x128xf32, #tpu.memory_space<vmem>>, vector<1x16xf32>,
      %swap3A_672 = vector.shape_cast %swap3A_671 : vector<1x16xf32> to vector<16xf32>
      %swap3A_673 = vector.shape_cast %get3A_668 : vector<16xf32> to vector<1x16xf32>
      tpu.vector_store %arg7[%swap3A_669, %swap3A_670], %swap3A_673 {add = true, strides = array<i32>} : memref<256x128xf32, #tpu.memory_space<vmem>>, vector<1x16xf32>,
      %add3A_674 = arith.constant 96 : i32
      %add3A_675 = arith.addi %add3A_674, %scan3A_584 : i32
      %add3A_676 = arith.constant 32 : i32
      %add3A_677 = arith.addi %add3A_676, %scan3A_584 : i32
      %get3A_678 = arith.index_cast %add3A_677 : i32 to index
      %get3A_679 = arith.constant 112 : index
      %get3A_680 = tpu.vector_load %arg8[%get3A_678, %get3A_679] {strides = array<i32>} : memref<64x128xf32, #tpu.memory_space<vmem>>, vector<1x16xf32>,
      %get3A_681 = vector.shape_cast %get3A_680 : vector<1x16xf32> to vector<16xf32>
      %swap3A_682 = arith.index_cast %add3A_675 : i32 to index
      %swap3A_683 = arith.constant 112 : index
      %swap3A_684 = tpu.vector_load %arg7[%swap3A_682, %swap3A_683] {strides = array<i32>} : memref<256x128xf32, #tpu.memory_space<vmem>>, vector<1x16xf32>,
      %swap3A_685 = vector.shape_cast %swap3A_684 : vector<1x16xf32> to vector<16xf32>
      %swap3A_686 = vector.shape_cast %get3A_681 : vector<16xf32> to vector<1x16xf32>
      tpu.vector_store %arg7[%swap3A_682, %swap3A_683], %swap3A_686 {add = true, strides = array<i32>} : memref<256x128xf32, #tpu.memory_space<vmem>>, vector<1x16xf32>,
    }
    %scan3A_340 = arith.constant 32 : i32
    %add3A_341 = arith.constant 32 : i32
    %add3A_342 = arith.addi %mul3A_2, %add3A_341 : i32
    %dma_start3A_343 = arith.constant 1 : i32
    %dma_start3A_344 = arith.constant 96 : i32
    %dma_start3A_345 = arith.constant 0 : i32
    %dma_start3A_346 = tpu.memref_slice %arg7[%dma_start3A_344, %dma_start3A_345] : memref<256x128xf32, #tpu.memory_space<vmem>> -> memref<32x128xf32, #tpu.memory_space<vmem>>
    %dma_start3A_347 = arith.constant 0 : i32
    %dma_start3A_348 = tpu.memref_slice %arg5[%dma_start3A_343, %add3A_342, %dma_start3A_347] : memref<4x2048x128xf32, #tpu.memory_space<hbm>> -> memref<1x32x128xf32, #tpu.memory_space<hbm>>
    %dma_start3A_349 = tpu.memref_squeeze %dma_start3A_348 : memref<1x32x128xf32, #tpu.memory_space<hbm>> -> memref<32x128xf32, #tpu.memory_space<hbm>>
    %dma_start3A_350 = arith.constant 0 : i32
    %dma_start3A_351 = tpu.memref_slice %arg5[%dma_start3A_343, %add3A_342, %dma_start3A_350] : memref<4x2048x128xf32, #tpu.memory_space<hbm>> -> memref<1x32x128xf32, #tpu.memory_space<hbm>>
    %dma_start3A_352 = tpu.memref_squeeze %dma_start3A_351 : memref<1x32x128xf32, #tpu.memory_space<hbm>> -> memref<32x128xf32, #tpu.memory_space<hbm>>
    %dma_start3A_353 = arith.constant 96 : i32
    %dma_start3A_354 = arith.constant 0 : i32
    %dma_start3A_355 = tpu.memref_slice %arg7[%dma_start3A_353, %dma_start3A_354] : memref<256x128xf32, #tpu.memory_space<vmem>> -> memref<32x128xf32, #tpu.memory_space<vmem>>
    tpu.enqueue_dma source(%dma_start3A_355 : memref<32x128xf32, #tpu.memory_space<vmem>>) target(%dma_start3A_352 : memref<32x128xf32, #tpu.memory_space<hbm>>) target_semaphore(%arg10 : memref<!tpu.dma_semaphore, #tpu.memory_space<semaphore_mem>>)
    %dma_wait3A_356 = arith.constant 2 : i32
    %dma_wait3A_357 = arith.constant 128 : i32
    %dma_wait3A_358 = arith.constant 0 : i32
    %dma_wait3A_359 = tpu.memref_slice %arg7[%dma_wait3A_357, %dma_wait3A_358] : memref<256x128xf32, #tpu.memory_space<vmem>> -> memref<32x128xf32, #tpu.memory_space<vmem>>
    %dma_wait3A_360 = arith.constant 0 : i32
    %dma_wait3A_361 = tpu.memref_slice %arg6[%dma_wait3A_356, %dma_wait3A_360] : memref<4x64xi32, #tpu.memory_space<vmem>> -> memref<1x32xi32, #tpu.memory_space<vmem>>
    %dma_wait3A_362 = tpu.memref_squeeze %dma_wait3A_361 : memref<1x32xi32, #tpu.memory_space<vmem>> -> memref<32xi32, #tpu.memory_space<vmem>>
    %dma_wait3A_363 = arith.constant 0 : i32
    %dma_wait3A_364 = arith.constant 0 : i32
    %dma_wait3A_365 = tpu.memref_slice %arg3[%dma_wait3A_363, %dma_wait3A_364] : memref<1000001x128xf32, #tpu.memory_space<hbm>> -> memref<1000001x128xf32, #tpu.memory_space<hbm>>
    tpu.wait_indirect_dma semaphore(%arg11 : memref<!tpu.dma_semaphore, #tpu.memory_space<semaphore_mem>>) src(%dma_wait3A_365 : memref<1000001x128xf32, #tpu.memory_space<hbm>>) dst(%dma_wait3A_359 : memref<32x128xf32, #tpu.memory_space<vmem>>)
    %scan3A_366 = arith.constant 0 : i32
    %scan3A_367 = arith.constant 0 : i32
    %scan3A_368 = arith.constant 32 : i32
    %scan3A_369 = arith.addi %scan3A_367, %scan3A_368 : i32
    %scan3A_370 = arith.constant 1 : i32
    scf.for %scan3A_584 = %scan3A_367 to %scan3A_369 step %scan3A_370  : i32 {
      %add3A_585 = arith.constant 128 : i32
      %add3A_586 = arith.addi %add3A_585, %scan3A_584 : i32
      %add3A_587 = arith.constant 0 : i32
      %add3A_588 = arith.addi %add3A_587, %scan3A_584 : i32
      %get3A = arith.index_cast %add3A_588 : i32 to index
      %get3A_589 = arith.constant 0 : index
      %get3A_590 = tpu.vector_load %arg8[%get3A, %get3A_589] {strides = array<i32>} : memref<64x128xf32, #tpu.memory_space<vmem>>, vector<1x16xf32>,
      %get3A_591 = vector.shape_cast %get3A_590 : vector<1x16xf32> to vector<16xf32>
      %swap3A = arith.index_cast %add3A_586 : i32 to index
      %swap3A_592 = arith.constant 0 : index
      %swap3A_593 = tpu.vector_load %arg7[%swap3A, %swap3A_592] {strides = array<i32>} : memref<256x128xf32, #tpu.memory_space<vmem>>, vector<1x16xf32>,
      %swap3A_594 = vector.shape_cast %swap3A_593 : vector<1x16xf32> to vector<16xf32>
      %swap3A_595 = vector.shape_cast %get3A_591 : vector<16xf32> to vector<1x16xf32>
      tpu.vector_store %arg7[%swap3A, %swap3A_592], %swap3A_595 {add = true, strides = array<i32>} : memref<256x128xf32, #tpu.memory_space<vmem>>, vector<1x16xf32>,
      %add3A_596 = arith.constant 128 : i32
      %add3A_597 = arith.addi %add3A_596, %scan3A_584 : i32
      %add3A_598 = arith.constant 0 : i32
      %add3A_599 = arith.addi %add3A_598, %scan3A_584 : i32
      %get3A_600 = arith.index_cast %add3A_599 : i32 to index
      %get3A_601 = arith.constant 16 : index
      %get3A_602 = tpu.vector_load %arg8[%get3A_600, %get3A_601] {strides = array<i32>} : memref<64x128xf32, #tpu.memory_space<vmem>>, vector<1x16xf32>,
      %get3A_603 = vector.shape_cast %get3A_602 : vector<1x16xf32> to vector<16xf32>
      %swap3A_604 = arith.index_cast %add3A_597 : i32 to index
      %swap3A_605 = arith.constant 16 : index
      %swap3A_606 = tpu.vector_load %arg7[%swap3A_604, %swap3A_605] {strides = array<i32>} : memref<256x128xf32, #tpu.memory_space<vmem>>, vector<1x16xf32>,
      %swap3A_607 = vector.shape_cast %swap3A_606 : vector<1x16xf32> to vector<16xf32>
      %swap3A_608 = vector.shape_cast %get3A_603 : vector<16xf32> to vector<1x16xf32>
      tpu.vector_store %arg7[%swap3A_604, %swap3A_605], %swap3A_608 {add = true, strides = array<i32>} : memref<256x128xf32, #tpu.memory_space<vmem>>, vector<1x16xf32>,
      %add3A_609 = arith.constant 128 : i32
      %add3A_610 = arith.addi %add3A_609, %scan3A_584 : i32
      %add3A_611 = arith.constant 0 : i32
      %add3A_612 = arith.addi %add3A_611, %scan3A_584 : i32
      %get3A_613 = arith.index_cast %add3A_612 : i32 to index
      %get3A_614 = arith.constant 32 : index
      %get3A_615 = tpu.vector_load %arg8[%get3A_613, %get3A_614] {strides = array<i32>} : memref<64x128xf32, #tpu.memory_space<vmem>>, vector<1x16xf32>,
      %get3A_616 = vector.shape_cast %get3A_615 : vector<1x16xf32> to vector<16xf32>
      %swap3A_617 = arith.index_cast %add3A_610 : i32 to index
      %swap3A_618 = arith.constant 32 : index
      %swap3A_619 = tpu.vector_load %arg7[%swap3A_617, %swap3A_618] {strides = array<i32>} : memref<256x128xf32, #tpu.memory_space<vmem>>, vector<1x16xf32>,
      %swap3A_620 = vector.shape_cast %swap3A_619 : vector<1x16xf32> to vector<16xf32>
      %swap3A_621 = vector.shape_cast %get3A_616 : vector<16xf32> to vector<1x16xf32>
      tpu.vector_store %arg7[%swap3A_617, %swap3A_618], %swap3A_621 {add = true, strides = array<i32>} : memref<256x128xf32, #tpu.memory_space<vmem>>, vector<1x16xf32>,
      %add3A_622 = arith.constant 128 : i32
      %add3A_623 = arith.addi %add3A_622, %scan3A_584 : i32
      %add3A_624 = arith.constant 0 : i32
      %add3A_625 = arith.addi %add3A_624, %scan3A_584 : i32
      %get3A_626 = arith.index_cast %add3A_625 : i32 to index
      %get3A_627 = arith.constant 48 : index
      %get3A_628 = tpu.vector_load %arg8[%get3A_626, %get3A_627] {strides = array<i32>} : memref<64x128xf32, #tpu.memory_space<vmem>>, vector<1x16xf32>,
      %get3A_629 = vector.shape_cast %get3A_628 : vector<1x16xf32> to vector<16xf32>
      %swap3A_630 = arith.index_cast %add3A_623 : i32 to index
      %swap3A_631 = arith.constant 48 : index
      %swap3A_632 = tpu.vector_load %arg7[%swap3A_630, %swap3A_631] {strides = array<i32>} : memref<256x128xf32, #tpu.memory_space<vmem>>, vector<1x16xf32>,
      %swap3A_633 = vector.shape_cast %swap3A_632 : vector<1x16xf32> to vector<16xf32>
      %swap3A_634 = vector.shape_cast %get3A_629 : vector<16xf32> to vector<1x16xf32>
      tpu.vector_store %arg7[%swap3A_630, %swap3A_631], %swap3A_634 {add = true, strides = array<i32>} : memref<256x128xf32, #tpu.memory_space<vmem>>, vector<1x16xf32>,
      %add3A_635 = arith.constant 128 : i32
      %add3A_636 = arith.addi %add3A_635, %scan3A_584 : i32
      %add3A_637 = arith.constant 0 : i32
      %add3A_638 = arith.addi %add3A_637, %scan3A_584 : i32
      %get3A_639 = arith.index_cast %add3A_638 : i32 to index
      %get3A_640 = arith.constant 64 : index
      %get3A_641 = tpu.vector_load %arg8[%get3A_639, %get3A_640] {strides = array<i32>} : memref<64x128xf32, #tpu.memory_space<vmem>>, vector<1x16xf32>,
      %get3A_642 = vector.shape_cast %get3A_641 : vector<1x16xf32> to vector<16xf32>
      %swap3A_643 = arith.index_cast %add3A_636 : i32 to index
      %swap3A_644 = arith.constant 64 : index
      %swap3A_645 = tpu.vector_load %arg7[%swap3A_643, %swap3A_644] {strides = array<i32>} : memref<256x128xf32, #tpu.memory_space<vmem>>, vector<1x16xf32>,
      %swap3A_646 = vector.shape_cast %swap3A_645 : vector<1x16xf32> to vector<16xf32>
      %swap3A_647 = vector.shape_cast %get3A_642 : vector<16xf32> to vector<1x16xf32>
      tpu.vector_store %arg7[%swap3A_643, %swap3A_644], %swap3A_647 {add = true, strides = array<i32>} : memref<256x128xf32, #tpu.memory_space<vmem>>, vector<1x16xf32>,
      %add3A_648 = arith.constant 128 : i32
      %add3A_649 = arith.addi %add3A_648, %scan3A_584 : i32
      %add3A_650 = arith.constant 0 : i32
      %add3A_651 = arith.addi %add3A_650, %scan3A_584 : i32
      %get3A_652 = arith.index_cast %add3A_651 : i32 to index
      %get3A_653 = arith.constant 80 : index
      %get3A_654 = tpu.vector_load %arg8[%get3A_652, %get3A_653] {strides = array<i32>} : memref<64x128xf32, #tpu.memory_space<vmem>>, vector<1x16xf32>,
      %get3A_655 = vector.shape_cast %get3A_654 : vector<1x16xf32> to vector<16xf32>
      %swap3A_656 = arith.index_cast %add3A_649 : i32 to index
      %swap3A_657 = arith.constant 80 : index
      %swap3A_658 = tpu.vector_load %arg7[%swap3A_656, %swap3A_657] {strides = array<i32>} : memref<256x128xf32, #tpu.memory_space<vmem>>, vector<1x16xf32>,
      %swap3A_659 = vector.shape_cast %swap3A_658 : vector<1x16xf32> to vector<16xf32>
      %swap3A_660 = vector.shape_cast %get3A_655 : vector<16xf32> to vector<1x16xf32>
      tpu.vector_store %arg7[%swap3A_656, %swap3A_657], %swap3A_660 {add = true, strides = array<i32>} : memref<256x128xf32, #tpu.memory_space<vmem>>, vector<1x16xf32>,
      %add3A_661 = arith.constant 128 : i32
      %add3A_662 = arith.addi %add3A_661, %scan3A_584 : i32
      %add3A_663 = arith.constant 0 : i32
      %add3A_664 = arith.addi %add3A_663, %scan3A_584 : i32
      %get3A_665 = arith.index_cast %add3A_664 : i32 to index
      %get3A_666 = arith.constant 96 : index
      %get3A_667 = tpu.vector_load %arg8[%get3A_665, %get3A_666] {strides = array<i32>} : memref<64x128xf32, #tpu.memory_space<vmem>>, vector<1x16xf32>,
      %get3A_668 = vector.shape_cast %get3A_667 : vector<1x16xf32> to vector<16xf32>
      %swap3A_669 = arith.index_cast %add3A_662 : i32 to index
      %swap3A_670 = arith.constant 96 : index
      %swap3A_671 = tpu.vector_load %arg7[%swap3A_669, %swap3A_670] {strides = array<i32>} : memref<256x128xf32, #tpu.memory_space<vmem>>, vector<1x16xf32>,
      %swap3A_672 = vector.shape_cast %swap3A_671 : vector<1x16xf32> to vector<16xf32>
      %swap3A_673 = vector.shape_cast %get3A_668 : vector<16xf32> to vector<1x16xf32>
      tpu.vector_store %arg7[%swap3A_669, %swap3A_670], %swap3A_673 {add = true, strides = array<i32>} : memref<256x128xf32, #tpu.memory_space<vmem>>, vector<1x16xf32>,
      %add3A_674 = arith.constant 128 : i32
      %add3A_675 = arith.addi %add3A_674, %scan3A_584 : i32
      %add3A_676 = arith.constant 0 : i32
      %add3A_677 = arith.addi %add3A_676, %scan3A_584 : i32
      %get3A_678 = arith.index_cast %add3A_677 : i32 to index
      %get3A_679 = arith.constant 112 : index
      %get3A_680 = tpu.vector_load %arg8[%get3A_678, %get3A_679] {strides = array<i32>} : memref<64x128xf32, #tpu.memory_space<vmem>>, vector<1x16xf32>,
      %get3A_681 = vector.shape_cast %get3A_680 : vector<1x16xf32> to vector<16xf32>
      %swap3A_682 = arith.index_cast %add3A_675 : i32 to index
      %swap3A_683 = arith.constant 112 : index
      %swap3A_684 = tpu.vector_load %arg7[%swap3A_682, %swap3A_683] {strides = array<i32>} : memref<256x128xf32, #tpu.memory_space<vmem>>, vector<1x16xf32>,
      %swap3A_685 = vector.shape_cast %swap3A_684 : vector<1x16xf32> to vector<16xf32>
      %swap3A_686 = vector.shape_cast %get3A_681 : vector<16xf32> to vector<1x16xf32>
      tpu.vector_store %arg7[%swap3A_682, %swap3A_683], %swap3A_686 {add = true, strides = array<i32>} : memref<256x128xf32, #tpu.memory_space<vmem>>, vector<1x16xf32>,
    }
    %scan3A_371 = arith.constant 32 : i32
    %add3A_372 = arith.constant 0 : i32
    %add3A_373 = arith.addi %mul3A_2, %add3A_372 : i32
    %dma_start3A_374 = arith.constant 2 : i32
    %dma_start3A_375 = arith.constant 128 : i32
    %dma_start3A_376 = arith.constant 0 : i32
    %dma_start3A_377 = tpu.memref_slice %arg7[%dma_start3A_375, %dma_start3A_376] : memref<256x128xf32, #tpu.memory_space<vmem>> -> memref<32x128xf32, #tpu.memory_space<vmem>>
    %dma_start3A_378 = arith.constant 0 : i32
    %dma_start3A_379 = tpu.memref_slice %arg5[%dma_start3A_374, %add3A_373, %dma_start3A_378] : memref<4x2048x128xf32, #tpu.memory_space<hbm>> -> memref<1x32x128xf32, #tpu.memory_space<hbm>>
    %dma_start3A_380 = tpu.memref_squeeze %dma_start3A_379 : memref<1x32x128xf32, #tpu.memory_space<hbm>> -> memref<32x128xf32, #tpu.memory_space<hbm>>
    %dma_start3A_381 = arith.constant 0 : i32
    %dma_start3A_382 = tpu.memref_slice %arg5[%dma_start3A_374, %add3A_373, %dma_start3A_381] : memref<4x2048x128xf32, #tpu.memory_space<hbm>> -> memref<1x32x128xf32, #tpu.memory_space<hbm>>
    %dma_start3A_383 = tpu.memref_squeeze %dma_start3A_382 : memref<1x32x128xf32, #tpu.memory_space<hbm>> -> memref<32x128xf32, #tpu.memory_space<hbm>>
    %dma_start3A_384 = arith.constant 128 : i32
    %dma_start3A_385 = arith.constant 0 : i32
    %dma_start3A_386 = tpu.memref_slice %arg7[%dma_start3A_384, %dma_start3A_385] : memref<256x128xf32, #tpu.memory_space<vmem>> -> memref<32x128xf32, #tpu.memory_space<vmem>>
    tpu.enqueue_dma source(%dma_start3A_386 : memref<32x128xf32, #tpu.memory_space<vmem>>) target(%dma_start3A_383 : memref<32x128xf32, #tpu.memory_space<hbm>>) target_semaphore(%arg10 : memref<!tpu.dma_semaphore, #tpu.memory_space<semaphore_mem>>)
    %dma_wait3A_387 = arith.constant 2 : i32
    %dma_wait3A_388 = arith.constant 160 : i32
    %dma_wait3A_389 = arith.constant 0 : i32
    %dma_wait3A_390 = tpu.memref_slice %arg7[%dma_wait3A_388, %dma_wait3A_389] : memref<256x128xf32, #tpu.memory_space<vmem>> -> memref<32x128xf32, #tpu.memory_space<vmem>>
    %dma_wait3A_391 = arith.constant 32 : i32
    %dma_wait3A_392 = tpu.memref_slice %arg6[%dma_wait3A_387, %dma_wait3A_391] : memref<4x64xi32, #tpu.memory_space<vmem>> -> memref<1x32xi32, #tpu.memory_space<vmem>>
    %dma_wait3A_393 = tpu.memref_squeeze %dma_wait3A_392 : memref<1x32xi32, #tpu.memory_space<vmem>> -> memref<32xi32, #tpu.memory_space<vmem>>
    %dma_wait3A_394 = arith.constant 0 : i32
    %dma_wait3A_395 = arith.constant 0 : i32
    %dma_wait3A_396 = tpu.memref_slice %arg3[%dma_wait3A_394, %dma_wait3A_395] : memref<1000001x128xf32, #tpu.memory_space<hbm>> -> memref<1000001x128xf32, #tpu.memory_space<hbm>>
    tpu.wait_indirect_dma semaphore(%arg12 : memref<!tpu.dma_semaphore, #tpu.memory_space<semaphore_mem>>) src(%dma_wait3A_396 : memref<1000001x128xf32, #tpu.memory_space<hbm>>) dst(%dma_wait3A_390 : memref<32x128xf32, #tpu.memory_space<vmem>>)
    %scan3A_397 = arith.constant 0 : i32
    %scan3A_398 = arith.constant 0 : i32
    %scan3A_399 = arith.constant 32 : i32
    %scan3A_400 = arith.addi %scan3A_398, %scan3A_399 : i32
    %scan3A_401 = arith.constant 1 : i32
    scf.for %scan3A_584 = %scan3A_398 to %scan3A_400 step %scan3A_401  : i32 {
      %add3A_585 = arith.constant 160 : i32
      %add3A_586 = arith.addi %add3A_585, %scan3A_584 : i32
      %add3A_587 = arith.constant 32 : i32
      %add3A_588 = arith.addi %add3A_587, %scan3A_584 : i32
      %get3A = arith.index_cast %add3A_588 : i32 to index
      %get3A_589 = arith.constant 0 : index
      %get3A_590 = tpu.vector_load %arg8[%get3A, %get3A_589] {strides = array<i32>} : memref<64x128xf32, #tpu.memory_space<vmem>>, vector<1x16xf32>,
      %get3A_591 = vector.shape_cast %get3A_590 : vector<1x16xf32> to vector<16xf32>
      %swap3A = arith.index_cast %add3A_586 : i32 to index
      %swap3A_592 = arith.constant 0 : index
      %swap3A_593 = tpu.vector_load %arg7[%swap3A, %swap3A_592] {strides = array<i32>} : memref<256x128xf32, #tpu.memory_space<vmem>>, vector<1x16xf32>,
      %swap3A_594 = vector.shape_cast %swap3A_593 : vector<1x16xf32> to vector<16xf32>
      %swap3A_595 = vector.shape_cast %get3A_591 : vector<16xf32> to vector<1x16xf32>
      tpu.vector_store %arg7[%swap3A, %swap3A_592], %swap3A_595 {add = true, strides = array<i32>} : memref<256x128xf32, #tpu.memory_space<vmem>>, vector<1x16xf32>,
      %add3A_596 = arith.constant 160 : i32
      %add3A_597 = arith.addi %add3A_596, %scan3A_584 : i32
      %add3A_598 = arith.constant 32 : i32
      %add3A_599 = arith.addi %add3A_598, %scan3A_584 : i32
      %get3A_600 = arith.index_cast %add3A_599 : i32 to index
      %get3A_601 = arith.constant 16 : index
      %get3A_602 = tpu.vector_load %arg8[%get3A_600, %get3A_601] {strides = array<i32>} : memref<64x128xf32, #tpu.memory_space<vmem>>, vector<1x16xf32>,
      %get3A_603 = vector.shape_cast %get3A_602 : vector<1x16xf32> to vector<16xf32>
      %swap3A_604 = arith.index_cast %add3A_597 : i32 to index
      %swap3A_605 = arith.constant 16 : index
      %swap3A_606 = tpu.vector_load %arg7[%swap3A_604, %swap3A_605] {strides = array<i32>} : memref<256x128xf32, #tpu.memory_space<vmem>>, vector<1x16xf32>,
      %swap3A_607 = vector.shape_cast %swap3A_606 : vector<1x16xf32> to vector<16xf32>
      %swap3A_608 = vector.shape_cast %get3A_603 : vector<16xf32> to vector<1x16xf32>
      tpu.vector_store %arg7[%swap3A_604, %swap3A_605], %swap3A_608 {add = true, strides = array<i32>} : memref<256x128xf32, #tpu.memory_space<vmem>>, vector<1x16xf32>,
      %add3A_609 = arith.constant 160 : i32
      %add3A_610 = arith.addi %add3A_609, %scan3A_584 : i32
      %add3A_611 = arith.constant 32 : i32
      %add3A_612 = arith.addi %add3A_611, %scan3A_584 : i32
      %get3A_613 = arith.index_cast %add3A_612 : i32 to index
      %get3A_614 = arith.constant 32 : index
      %get3A_615 = tpu.vector_load %arg8[%get3A_613, %get3A_614] {strides = array<i32>} : memref<64x128xf32, #tpu.memory_space<vmem>>, vector<1x16xf32>,
      %get3A_616 = vector.shape_cast %get3A_615 : vector<1x16xf32> to vector<16xf32>
      %swap3A_617 = arith.index_cast %add3A_610 : i32 to index
      %swap3A_618 = arith.constant 32 : index
      %swap3A_619 = tpu.vector_load %arg7[%swap3A_617, %swap3A_618] {strides = array<i32>} : memref<256x128xf32, #tpu.memory_space<vmem>>, vector<1x16xf32>,
      %swap3A_620 = vector.shape_cast %swap3A_619 : vector<1x16xf32> to vector<16xf32>
      %swap3A_621 = vector.shape_cast %get3A_616 : vector<16xf32> to vector<1x16xf32>
      tpu.vector_store %arg7[%swap3A_617, %swap3A_618], %swap3A_621 {add = true, strides = array<i32>} : memref<256x128xf32, #tpu.memory_space<vmem>>, vector<1x16xf32>,
      %add3A_622 = arith.constant 160 : i32
      %add3A_623 = arith.addi %add3A_622, %scan3A_584 : i32
      %add3A_624 = arith.constant 32 : i32
      %add3A_625 = arith.addi %add3A_624, %scan3A_584 : i32
      %get3A_626 = arith.index_cast %add3A_625 : i32 to index
      %get3A_627 = arith.constant 48 : index
      %get3A_628 = tpu.vector_load %arg8[%get3A_626, %get3A_627] {strides = array<i32>} : memref<64x128xf32, #tpu.memory_space<vmem>>, vector<1x16xf32>,
      %get3A_629 = vector.shape_cast %get3A_628 : vector<1x16xf32> to vector<16xf32>
      %swap3A_630 = arith.index_cast %add3A_623 : i32 to index
      %swap3A_631 = arith.constant 48 : index
      %swap3A_632 = tpu.vector_load %arg7[%swap3A_630, %swap3A_631] {strides = array<i32>} : memref<256x128xf32, #tpu.memory_space<vmem>>, vector<1x16xf32>,
      %swap3A_633 = vector.shape_cast %swap3A_632 : vector<1x16xf32> to vector<16xf32>
      %swap3A_634 = vector.shape_cast %get3A_629 : vector<16xf32> to vector<1x16xf32>
      tpu.vector_store %arg7[%swap3A_630, %swap3A_631], %swap3A_634 {add = true, strides = array<i32>} : memref<256x128xf32, #tpu.memory_space<vmem>>, vector<1x16xf32>,
      %add3A_635 = arith.constant 160 : i32
      %add3A_636 = arith.addi %add3A_635, %scan3A_584 : i32
      %add3A_637 = arith.constant 32 : i32
      %add3A_638 = arith.addi %add3A_637, %scan3A_584 : i32
      %get3A_639 = arith.index_cast %add3A_638 : i32 to index
      %get3A_640 = arith.constant 64 : index
      %get3A_641 = tpu.vector_load %arg8[%get3A_639, %get3A_640] {strides = array<i32>} : memref<64x128xf32, #tpu.memory_space<vmem>>, vector<1x16xf32>,
      %get3A_642 = vector.shape_cast %get3A_641 : vector<1x16xf32> to vector<16xf32>
      %swap3A_643 = arith.index_cast %add3A_636 : i32 to index
      %swap3A_644 = arith.constant 64 : index
      %swap3A_645 = tpu.vector_load %arg7[%swap3A_643, %swap3A_644] {strides = array<i32>} : memref<256x128xf32, #tpu.memory_space<vmem>>, vector<1x16xf32>,
      %swap3A_646 = vector.shape_cast %swap3A_645 : vector<1x16xf32> to vector<16xf32>
      %swap3A_647 = vector.shape_cast %get3A_642 : vector<16xf32> to vector<1x16xf32>
      tpu.vector_store %arg7[%swap3A_643, %swap3A_644], %swap3A_647 {add = true, strides = array<i32>} : memref<256x128xf32, #tpu.memory_space<vmem>>, vector<1x16xf32>,
      %add3A_648 = arith.constant 160 : i32
      %add3A_649 = arith.addi %add3A_648, %scan3A_584 : i32
      %add3A_650 = arith.constant 32 : i32
      %add3A_651 = arith.addi %add3A_650, %scan3A_584 : i32
      %get3A_652 = arith.index_cast %add3A_651 : i32 to index
      %get3A_653 = arith.constant 80 : index
      %get3A_654 = tpu.vector_load %arg8[%get3A_652, %get3A_653] {strides = array<i32>} : memref<64x128xf32, #tpu.memory_space<vmem>>, vector<1x16xf32>,
      %get3A_655 = vector.shape_cast %get3A_654 : vector<1x16xf32> to vector<16xf32>
      %swap3A_656 = arith.index_cast %add3A_649 : i32 to index
      %swap3A_657 = arith.constant 80 : index
      %swap3A_658 = tpu.vector_load %arg7[%swap3A_656, %swap3A_657] {strides = array<i32>} : memref<256x128xf32, #tpu.memory_space<vmem>>, vector<1x16xf32>,
      %swap3A_659 = vector.shape_cast %swap3A_658 : vector<1x16xf32> to vector<16xf32>
      %swap3A_660 = vector.shape_cast %get3A_655 : vector<16xf32> to vector<1x16xf32>
      tpu.vector_store %arg7[%swap3A_656, %swap3A_657], %swap3A_660 {add = true, strides = array<i32>} : memref<256x128xf32, #tpu.memory_space<vmem>>, vector<1x16xf32>,
      %add3A_661 = arith.constant 160 : i32
      %add3A_662 = arith.addi %add3A_661, %scan3A_584 : i32
      %add3A_663 = arith.constant 32 : i32
      %add3A_664 = arith.addi %add3A_663, %scan3A_584 : i32
      %get3A_665 = arith.index_cast %add3A_664 : i32 to index
      %get3A_666 = arith.constant 96 : index
      %get3A_667 = tpu.vector_load %arg8[%get3A_665, %get3A_666] {strides = array<i32>} : memref<64x128xf32, #tpu.memory_space<vmem>>, vector<1x16xf32>,
      %get3A_668 = vector.shape_cast %get3A_667 : vector<1x16xf32> to vector<16xf32>
      %swap3A_669 = arith.index_cast %add3A_662 : i32 to index
      %swap3A_670 = arith.constant 96 : index
      %swap3A_671 = tpu.vector_load %arg7[%swap3A_669, %swap3A_670] {strides = array<i32>} : memref<256x128xf32, #tpu.memory_space<vmem>>, vector<1x16xf32>,
      %swap3A_672 = vector.shape_cast %swap3A_671 : vector<1x16xf32> to vector<16xf32>
      %swap3A_673 = vector.shape_cast %get3A_668 : vector<16xf32> to vector<1x16xf32>
      tpu.vector_store %arg7[%swap3A_669, %swap3A_670], %swap3A_673 {add = true, strides = array<i32>} : memref<256x128xf32, #tpu.memory_space<vmem>>, vector<1x16xf32>,
      %add3A_674 = arith.constant 160 : i32
      %add3A_675 = arith.addi %add3A_674, %scan3A_584 : i32
      %add3A_676 = arith.constant 32 : i32
      %add3A_677 = arith.addi %add3A_676, %scan3A_584 : i32
      %get3A_678 = arith.index_cast %add3A_677 : i32 to index
      %get3A_679 = arith.constant 112 : index
      %get3A_680 = tpu.vector_load %arg8[%get3A_678, %get3A_679] {strides = array<i32>} : memref<64x128xf32, #tpu.memory_space<vmem>>, vector<1x16xf32>,
      %get3A_681 = vector.shape_cast %get3A_680 : vector<1x16xf32> to vector<16xf32>
      %swap3A_682 = arith.index_cast %add3A_675 : i32 to index
      %swap3A_683 = arith.constant 112 : index
      %swap3A_684 = tpu.vector_load %arg7[%swap3A_682, %swap3A_683] {strides = array<i32>} : memref<256x128xf32, #tpu.memory_space<vmem>>, vector<1x16xf32>,
      %swap3A_685 = vector.shape_cast %swap3A_684 : vector<1x16xf32> to vector<16xf32>
      %swap3A_686 = vector.shape_cast %get3A_681 : vector<16xf32> to vector<1x16xf32>
      tpu.vector_store %arg7[%swap3A_682, %swap3A_683], %swap3A_686 {add = true, strides = array<i32>} : memref<256x128xf32, #tpu.memory_space<vmem>>, vector<1x16xf32>,
    }
    %scan3A_402 = arith.constant 32 : i32
    %add3A_403 = arith.constant 32 : i32
    %add3A_404 = arith.addi %mul3A_2, %add3A_403 : i32
    %dma_start3A_405 = arith.constant 2 : i32
    %dma_start3A_406 = arith.constant 160 : i32
    %dma_start3A_407 = arith.constant 0 : i32
    %dma_start3A_408 = tpu.memref_slice %arg7[%dma_start3A_406, %dma_start3A_407] : memref<256x128xf32, #tpu.memory_space<vmem>> -> memref<32x128xf32, #tpu.memory_space<vmem>>
    %dma_start3A_409 = arith.constant 0 : i32
    %dma_start3A_410 = tpu.memref_slice %arg5[%dma_start3A_405, %add3A_404, %dma_start3A_409] : memref<4x2048x128xf32, #tpu.memory_space<hbm>> -> memref<1x32x128xf32, #tpu.memory_space<hbm>>
    %dma_start3A_411 = tpu.memref_squeeze %dma_start3A_410 : memref<1x32x128xf32, #tpu.memory_space<hbm>> -> memref<32x128xf32, #tpu.memory_space<hbm>>
    %dma_start3A_412 = arith.constant 0 : i32
    %dma_start3A_413 = tpu.memref_slice %arg5[%dma_start3A_405, %add3A_404, %dma_start3A_412] : memref<4x2048x128xf32, #tpu.memory_space<hbm>> -> memref<1x32x128xf32, #tpu.memory_space<hbm>>
    %dma_start3A_414 = tpu.memref_squeeze %dma_start3A_413 : memref<1x32x128xf32, #tpu.memory_space<hbm>> -> memref<32x128xf32, #tpu.memory_space<hbm>>
    %dma_start3A_415 = arith.constant 160 : i32
    %dma_start3A_416 = arith.constant 0 : i32
    %dma_start3A_417 = tpu.memref_slice %arg7[%dma_start3A_415, %dma_start3A_416] : memref<256x128xf32, #tpu.memory_space<vmem>> -> memref<32x128xf32, #tpu.memory_space<vmem>>
    tpu.enqueue_dma source(%dma_start3A_417 : memref<32x128xf32, #tpu.memory_space<vmem>>) target(%dma_start3A_414 : memref<32x128xf32, #tpu.memory_space<hbm>>) target_semaphore(%arg10 : memref<!tpu.dma_semaphore, #tpu.memory_space<semaphore_mem>>)
    %dma_wait3A_418 = arith.constant 3 : i32
    %dma_wait3A_419 = arith.constant 192 : i32
    %dma_wait3A_420 = arith.constant 0 : i32
    %dma_wait3A_421 = tpu.memref_slice %arg7[%dma_wait3A_419, %dma_wait3A_420] : memref<256x128xf32, #tpu.memory_space<vmem>> -> memref<32x128xf32, #tpu.memory_space<vmem>>
    %dma_wait3A_422 = arith.constant 0 : i32
    %dma_wait3A_423 = tpu.memref_slice %arg6[%dma_wait3A_418, %dma_wait3A_422] : memref<4x64xi32, #tpu.memory_space<vmem>> -> memref<1x32xi32, #tpu.memory_space<vmem>>
    %dma_wait3A_424 = tpu.memref_squeeze %dma_wait3A_423 : memref<1x32xi32, #tpu.memory_space<vmem>> -> memref<32xi32, #tpu.memory_space<vmem>>
    %dma_wait3A_425 = arith.constant 0 : i32
    %dma_wait3A_426 = arith.constant 0 : i32
    %dma_wait3A_427 = tpu.memref_slice %arg3[%dma_wait3A_425, %dma_wait3A_426] : memref<1000001x128xf32, #tpu.memory_space<hbm>> -> memref<1000001x128xf32, #tpu.memory_space<hbm>>
    tpu.wait_indirect_dma semaphore(%arg13 : memref<!tpu.dma_semaphore, #tpu.memory_space<semaphore_mem>>) src(%dma_wait3A_427 : memref<1000001x128xf32, #tpu.memory_space<hbm>>) dst(%dma_wait3A_421 : memref<32x128xf32, #tpu.memory_space<vmem>>)
    %scan3A_428 = arith.constant 0 : i32
    %scan3A_429 = arith.constant 0 : i32
    %scan3A_430 = arith.constant 32 : i32
    %scan3A_431 = arith.addi %scan3A_429, %scan3A_430 : i32
    %scan3A_432 = arith.constant 1 : i32
    scf.for %scan3A_584 = %scan3A_429 to %scan3A_431 step %scan3A_432  : i32 {
      %add3A_585 = arith.constant 192 : i32
      %add3A_586 = arith.addi %add3A_585, %scan3A_584 : i32
      %add3A_587 = arith.constant 0 : i32
      %add3A_588 = arith.addi %add3A_587, %scan3A_584 : i32
      %get3A = arith.index_cast %add3A_588 : i32 to index
      %get3A_589 = arith.constant 0 : index
      %get3A_590 = tpu.vector_load %arg8[%get3A, %get3A_589] {strides = array<i32>} : memref<64x128xf32, #tpu.memory_space<vmem>>, vector<1x16xf32>,
      %get3A_591 = vector.shape_cast %get3A_590 : vector<1x16xf32> to vector<16xf32>
      %swap3A = arith.index_cast %add3A_586 : i32 to index
      %swap3A_592 = arith.constant 0 : index
      %swap3A_593 = tpu.vector_load %arg7[%swap3A, %swap3A_592] {strides = array<i32>} : memref<256x128xf32, #tpu.memory_space<vmem>>, vector<1x16xf32>,
      %swap3A_594 = vector.shape_cast %swap3A_593 : vector<1x16xf32> to vector<16xf32>
      %swap3A_595 = vector.shape_cast %get3A_591 : vector<16xf32> to vector<1x16xf32>
      tpu.vector_store %arg7[%swap3A, %swap3A_592], %swap3A_595 {add = true, strides = array<i32>} : memref<256x128xf32, #tpu.memory_space<vmem>>, vector<1x16xf32>,
      %add3A_596 = arith.constant 192 : i32
      %add3A_597 = arith.addi %add3A_596, %scan3A_584 : i32
      %add3A_598 = arith.constant 0 : i32
      %add3A_599 = arith.addi %add3A_598, %scan3A_584 : i32
      %get3A_600 = arith.index_cast %add3A_599 : i32 to index
      %get3A_601 = arith.constant 16 : index
      %get3A_602 = tpu.vector_load %arg8[%get3A_600, %get3A_601] {strides = array<i32>} : memref<64x128xf32, #tpu.memory_space<vmem>>, vector<1x16xf32>,
      %get3A_603 = vector.shape_cast %get3A_602 : vector<1x16xf32> to vector<16xf32>
      %swap3A_604 = arith.index_cast %add3A_597 : i32 to index
      %swap3A_605 = arith.constant 16 : index
      %swap3A_606 = tpu.vector_load %arg7[%swap3A_604, %swap3A_605] {strides = array<i32>} : memref<256x128xf32, #tpu.memory_space<vmem>>, vector<1x16xf32>,
      %swap3A_607 = vector.shape_cast %swap3A_606 : vector<1x16xf32> to vector<16xf32>
      %swap3A_608 = vector.shape_cast %get3A_603 : vector<16xf32> to vector<1x16xf32>
      tpu.vector_store %arg7[%swap3A_604, %swap3A_605], %swap3A_608 {add = true, strides = array<i32>} : memref<256x128xf32, #tpu.memory_space<vmem>>, vector<1x16xf32>,
      %add3A_609 = arith.constant 192 : i32
      %add3A_610 = arith.addi %add3A_609, %scan3A_584 : i32
      %add3A_611 = arith.constant 0 : i32
      %add3A_612 = arith.addi %add3A_611, %scan3A_584 : i32
      %get3A_613 = arith.index_cast %add3A_612 : i32 to index
      %get3A_614 = arith.constant 32 : index
      %get3A_615 = tpu.vector_load %arg8[%get3A_613, %get3A_614] {strides = array<i32>} : memref<64x128xf32, #tpu.memory_space<vmem>>, vector<1x16xf32>,
      %get3A_616 = vector.shape_cast %get3A_615 : vector<1x16xf32> to vector<16xf32>
      %swap3A_617 = arith.index_cast %add3A_610 : i32 to index
      %swap3A_618 = arith.constant 32 : index
      %swap3A_619 = tpu.vector_load %arg7[%swap3A_617, %swap3A_618] {strides = array<i32>} : memref<256x128xf32, #tpu.memory_space<vmem>>, vector<1x16xf32>,
      %swap3A_620 = vector.shape_cast %swap3A_619 : vector<1x16xf32> to vector<16xf32>
      %swap3A_621 = vector.shape_cast %get3A_616 : vector<16xf32> to vector<1x16xf32>
      tpu.vector_store %arg7[%swap3A_617, %swap3A_618], %swap3A_621 {add = true, strides = array<i32>} : memref<256x128xf32, #tpu.memory_space<vmem>>, vector<1x16xf32>,
      %add3A_622 = arith.constant 192 : i32
      %add3A_623 = arith.addi %add3A_622, %scan3A_584 : i32
      %add3A_624 = arith.constant 0 : i32
      %add3A_625 = arith.addi %add3A_624, %scan3A_584 : i32
      %get3A_626 = arith.index_cast %add3A_625 : i32 to index
      %get3A_627 = arith.constant 48 : index
      %get3A_628 = tpu.vector_load %arg8[%get3A_626, %get3A_627] {strides = array<i32>} : memref<64x128xf32, #tpu.memory_space<vmem>>, vector<1x16xf32>,
      %get3A_629 = vector.shape_cast %get3A_628 : vector<1x16xf32> to vector<16xf32>
      %swap3A_630 = arith.index_cast %add3A_623 : i32 to index
      %swap3A_631 = arith.constant 48 : index
      %swap3A_632 = tpu.vector_load %arg7[%swap3A_630, %swap3A_631] {strides = array<i32>} : memref<256x128xf32, #tpu.memory_space<vmem>>, vector<1x16xf32>,
      %swap3A_633 = vector.shape_cast %swap3A_632 : vector<1x16xf32> to vector<16xf32>
      %swap3A_634 = vector.shape_cast %get3A_629 : vector<16xf32> to vector<1x16xf32>
      tpu.vector_store %arg7[%swap3A_630, %swap3A_631], %swap3A_634 {add = true, strides = array<i32>} : memref<256x128xf32, #tpu.memory_space<vmem>>, vector<1x16xf32>,
      %add3A_635 = arith.constant 192 : i32
      %add3A_636 = arith.addi %add3A_635, %scan3A_584 : i32
      %add3A_637 = arith.constant 0 : i32
      %add3A_638 = arith.addi %add3A_637, %scan3A_584 : i32
      %get3A_639 = arith.index_cast %add3A_638 : i32 to index
      %get3A_640 = arith.constant 64 : index
      %get3A_641 = tpu.vector_load %arg8[%get3A_639, %get3A_640] {strides = array<i32>} : memref<64x128xf32, #tpu.memory_space<vmem>>, vector<1x16xf32>,
      %get3A_642 = vector.shape_cast %get3A_641 : vector<1x16xf32> to vector<16xf32>
      %swap3A_643 = arith.index_cast %add3A_636 : i32 to index
      %swap3A_644 = arith.constant 64 : index
      %swap3A_645 = tpu.vector_load %arg7[%swap3A_643, %swap3A_644] {strides = array<i32>} : memref<256x128xf32, #tpu.memory_space<vmem>>, vector<1x16xf32>,
      %swap3A_646 = vector.shape_cast %swap3A_645 : vector<1x16xf32> to vector<16xf32>
      %swap3A_647 = vector.shape_cast %get3A_642 : vector<16xf32> to vector<1x16xf32>
      tpu.vector_store %arg7[%swap3A_643, %swap3A_644], %swap3A_647 {add = true, strides = array<i32>} : memref<256x128xf32, #tpu.memory_space<vmem>>, vector<1x16xf32>,
      %add3A_648 = arith.constant 192 : i32
      %add3A_649 = arith.addi %add3A_648, %scan3A_584 : i32
      %add3A_650 = arith.constant 0 : i32
      %add3A_651 = arith.addi %add3A_650, %scan3A_584 : i32
      %get3A_652 = arith.index_cast %add3A_651 : i32 to index
      %get3A_653 = arith.constant 80 : index
      %get3A_654 = tpu.vector_load %arg8[%get3A_652, %get3A_653] {strides = array<i32>} : memref<64x128xf32, #tpu.memory_space<vmem>>, vector<1x16xf32>,
      %get3A_655 = vector.shape_cast %get3A_654 : vector<1x16xf32> to vector<16xf32>
      %swap3A_656 = arith.index_cast %add3A_649 : i32 to index
      %swap3A_657 = arith.constant 80 : index
      %swap3A_658 = tpu.vector_load %arg7[%swap3A_656, %swap3A_657] {strides = array<i32>} : memref<256x128xf32, #tpu.memory_space<vmem>>, vector<1x16xf32>,
      %swap3A_659 = vector.shape_cast %swap3A_658 : vector<1x16xf32> to vector<16xf32>
      %swap3A_660 = vector.shape_cast %get3A_655 : vector<16xf32> to vector<1x16xf32>
      tpu.vector_store %arg7[%swap3A_656, %swap3A_657], %swap3A_660 {add = true, strides = array<i32>} : memref<256x128xf32, #tpu.memory_space<vmem>>, vector<1x16xf32>,
      %add3A_661 = arith.constant 192 : i32
      %add3A_662 = arith.addi %add3A_661, %scan3A_584 : i32
      %add3A_663 = arith.constant 0 : i32
      %add3A_664 = arith.addi %add3A_663, %scan3A_584 : i32
      %get3A_665 = arith.index_cast %add3A_664 : i32 to index
      %get3A_666 = arith.constant 96 : index
      %get3A_667 = tpu.vector_load %arg8[%get3A_665, %get3A_666] {strides = array<i32>} : memref<64x128xf32, #tpu.memory_space<vmem>>, vector<1x16xf32>,
      %get3A_668 = vector.shape_cast %get3A_667 : vector<1x16xf32> to vector<16xf32>
      %swap3A_669 = arith.index_cast %add3A_662 : i32 to index
      %swap3A_670 = arith.constant 96 : index
      %swap3A_671 = tpu.vector_load %arg7[%swap3A_669, %swap3A_670] {strides = array<i32>} : memref<256x128xf32, #tpu.memory_space<vmem>>, vector<1x16xf32>,
      %swap3A_672 = vector.shape_cast %swap3A_671 : vector<1x16xf32> to vector<16xf32>
      %swap3A_673 = vector.shape_cast %get3A_668 : vector<16xf32> to vector<1x16xf32>
      tpu.vector_store %arg7[%swap3A_669, %swap3A_670], %swap3A_673 {add = true, strides = array<i32>} : memref<256x128xf32, #tpu.memory_space<vmem>>, vector<1x16xf32>,
      %add3A_674 = arith.constant 192 : i32
      %add3A_675 = arith.addi %add3A_674, %scan3A_584 : i32
      %add3A_676 = arith.constant 0 : i32
      %add3A_677 = arith.addi %add3A_676, %scan3A_584 : i32
      %get3A_678 = arith.index_cast %add3A_677 : i32 to index
      %get3A_679 = arith.constant 112 : index
      %get3A_680 = tpu.vector_load %arg8[%get3A_678, %get3A_679] {strides = array<i32>} : memref<64x128xf32, #tpu.memory_space<vmem>>, vector<1x16xf32>,
      %get3A_681 = vector.shape_cast %get3A_680 : vector<1x16xf32> to vector<16xf32>
      %swap3A_682 = arith.index_cast %add3A_675 : i32 to index
      %swap3A_683 = arith.constant 112 : index
      %swap3A_684 = tpu.vector_load %arg7[%swap3A_682, %swap3A_683] {strides = array<i32>} : memref<256x128xf32, #tpu.memory_space<vmem>>, vector<1x16xf32>,
      %swap3A_685 = vector.shape_cast %swap3A_684 : vector<1x16xf32> to vector<16xf32>
      %swap3A_686 = vector.shape_cast %get3A_681 : vector<16xf32> to vector<1x16xf32>
      tpu.vector_store %arg7[%swap3A_682, %swap3A_683], %swap3A_686 {add = true, strides = array<i32>} : memref<256x128xf32, #tpu.memory_space<vmem>>, vector<1x16xf32>,
    }
    %scan3A_433 = arith.constant 32 : i32
    %add3A_434 = arith.constant 0 : i32
    %add3A_435 = arith.addi %mul3A_2, %add3A_434 : i32
    %dma_start3A_436 = arith.constant 3 : i32
    %dma_start3A_437 = arith.constant 192 : i32
    %dma_start3A_438 = arith.constant 0 : i32
    %dma_start3A_439 = tpu.memref_slice %arg7[%dma_start3A_437, %dma_start3A_438] : memref<256x128xf32, #tpu.memory_space<vmem>> -> memref<32x128xf32, #tpu.memory_space<vmem>>
    %dma_start3A_440 = arith.constant 0 : i32
    %dma_start3A_441 = tpu.memref_slice %arg5[%dma_start3A_436, %add3A_435, %dma_start3A_440] : memref<4x2048x128xf32, #tpu.memory_space<hbm>> -> memref<1x32x128xf32, #tpu.memory_space<hbm>>
    %dma_start3A_442 = tpu.memref_squeeze %dma_start3A_441 : memref<1x32x128xf32, #tpu.memory_space<hbm>> -> memref<32x128xf32, #tpu.memory_space<hbm>>
    %dma_start3A_443 = arith.constant 0 : i32
    %dma_start3A_444 = tpu.memref_slice %arg5[%dma_start3A_436, %add3A_435, %dma_start3A_443] : memref<4x2048x128xf32, #tpu.memory_space<hbm>> -> memref<1x32x128xf32, #tpu.memory_space<hbm>>
    %dma_start3A_445 = tpu.memref_squeeze %dma_start3A_444 : memref<1x32x128xf32, #tpu.memory_space<hbm>> -> memref<32x128xf32, #tpu.memory_space<hbm>>
    %dma_start3A_446 = arith.constant 192 : i32
    %dma_start3A_447 = arith.constant 0 : i32
    %dma_start3A_448 = tpu.memref_slice %arg7[%dma_start3A_446, %dma_start3A_447] : memref<256x128xf32, #tpu.memory_space<vmem>> -> memref<32x128xf32, #tpu.memory_space<vmem>>
    tpu.enqueue_dma source(%dma_start3A_448 : memref<32x128xf32, #tpu.memory_space<vmem>>) target(%dma_start3A_445 : memref<32x128xf32, #tpu.memory_space<hbm>>) target_semaphore(%arg10 : memref<!tpu.dma_semaphore, #tpu.memory_space<semaphore_mem>>)
    %dma_wait3A_449 = arith.constant 3 : i32
    %dma_wait3A_450 = arith.constant 224 : i32
    %dma_wait3A_451 = arith.constant 0 : i32
    %dma_wait3A_452 = tpu.memref_slice %arg7[%dma_wait3A_450, %dma_wait3A_451] : memref<256x128xf32, #tpu.memory_space<vmem>> -> memref<32x128xf32, #tpu.memory_space<vmem>>
    %dma_wait3A_453 = arith.constant 32 : i32
    %dma_wait3A_454 = tpu.memref_slice %arg6[%dma_wait3A_449, %dma_wait3A_453] : memref<4x64xi32, #tpu.memory_space<vmem>> -> memref<1x32xi32, #tpu.memory_space<vmem>>
    %dma_wait3A_455 = tpu.memref_squeeze %dma_wait3A_454 : memref<1x32xi32, #tpu.memory_space<vmem>> -> memref<32xi32, #tpu.memory_space<vmem>>
    %dma_wait3A_456 = arith.constant 0 : i32
    %dma_wait3A_457 = arith.constant 0 : i32
    %dma_wait3A_458 = tpu.memref_slice %arg3[%dma_wait3A_456, %dma_wait3A_457] : memref<1000001x128xf32, #tpu.memory_space<hbm>> -> memref<1000001x128xf32, #tpu.memory_space<hbm>>
    tpu.wait_indirect_dma semaphore(%arg14 : memref<!tpu.dma_semaphore, #tpu.memory_space<semaphore_mem>>) src(%dma_wait3A_458 : memref<1000001x128xf32, #tpu.memory_space<hbm>>) dst(%dma_wait3A_452 : memref<32x128xf32, #tpu.memory_space<vmem>>)
    %scan3A_459 = arith.constant 0 : i32
    %scan3A_460 = arith.constant 0 : i32
    %scan3A_461 = arith.constant 32 : i32
    %scan3A_462 = arith.addi %scan3A_460, %scan3A_461 : i32
    %scan3A_463 = arith.constant 1 : i32
    scf.for %scan3A_584 = %scan3A_460 to %scan3A_462 step %scan3A_463  : i32 {
      %add3A_585 = arith.constant 224 : i32
      %add3A_586 = arith.addi %add3A_585, %scan3A_584 : i32
      %add3A_587 = arith.constant 32 : i32
      %add3A_588 = arith.addi %add3A_587, %scan3A_584 : i32
      %get3A = arith.index_cast %add3A_588 : i32 to index
      %get3A_589 = arith.constant 0 : index
      %get3A_590 = tpu.vector_load %arg8[%get3A, %get3A_589] {strides = array<i32>} : memref<64x128xf32, #tpu.memory_space<vmem>>, vector<1x16xf32>,
      %get3A_591 = vector.shape_cast %get3A_590 : vector<1x16xf32> to vector<16xf32>
      %swap3A = arith.index_cast %add3A_586 : i32 to index
      %swap3A_592 = arith.constant 0 : index
      %swap3A_593 = tpu.vector_load %arg7[%swap3A, %swap3A_592] {strides = array<i32>} : memref<256x128xf32, #tpu.memory_space<vmem>>, vector<1x16xf32>,
      %swap3A_594 = vector.shape_cast %swap3A_593 : vector<1x16xf32> to vector<16xf32>
      %swap3A_595 = vector.shape_cast %get3A_591 : vector<16xf32> to vector<1x16xf32>
      tpu.vector_store %arg7[%swap3A, %swap3A_592], %swap3A_595 {add = true, strides = array<i32>} : memref<256x128xf32, #tpu.memory_space<vmem>>, vector<1x16xf32>,
      %add3A_596 = arith.constant 224 : i32
      %add3A_597 = arith.addi %add3A_596, %scan3A_584 : i32
      %add3A_598 = arith.constant 32 : i32
      %add3A_599 = arith.addi %add3A_598, %scan3A_584 : i32
      %get3A_600 = arith.index_cast %add3A_599 : i32 to index
      %get3A_601 = arith.constant 16 : index
      %get3A_602 = tpu.vector_load %arg8[%get3A_600, %get3A_601] {strides = array<i32>} : memref<64x128xf32, #tpu.memory_space<vmem>>, vector<1x16xf32>,
      %get3A_603 = vector.shape_cast %get3A_602 : vector<1x16xf32> to vector<16xf32>
      %swap3A_604 = arith.index_cast %add3A_597 : i32 to index
      %swap3A_605 = arith.constant 16 : index
      %swap3A_606 = tpu.vector_load %arg7[%swap3A_604, %swap3A_605] {strides = array<i32>} : memref<256x128xf32, #tpu.memory_space<vmem>>, vector<1x16xf32>,
      %swap3A_607 = vector.shape_cast %swap3A_606 : vector<1x16xf32> to vector<16xf32>
      %swap3A_608 = vector.shape_cast %get3A_603 : vector<16xf32> to vector<1x16xf32>
      tpu.vector_store %arg7[%swap3A_604, %swap3A_605], %swap3A_608 {add = true, strides = array<i32>} : memref<256x128xf32, #tpu.memory_space<vmem>>, vector<1x16xf32>,
      %add3A_609 = arith.constant 224 : i32
      %add3A_610 = arith.addi %add3A_609, %scan3A_584 : i32
      %add3A_611 = arith.constant 32 : i32
      %add3A_612 = arith.addi %add3A_611, %scan3A_584 : i32
      %get3A_613 = arith.index_cast %add3A_612 : i32 to index
      %get3A_614 = arith.constant 32 : index
      %get3A_615 = tpu.vector_load %arg8[%get3A_613, %get3A_614] {strides = array<i32>} : memref<64x128xf32, #tpu.memory_space<vmem>>, vector<1x16xf32>,
      %get3A_616 = vector.shape_cast %get3A_615 : vector<1x16xf32> to vector<16xf32>
      %swap3A_617 = arith.index_cast %add3A_610 : i32 to index
      %swap3A_618 = arith.constant 32 : index
      %swap3A_619 = tpu.vector_load %arg7[%swap3A_617, %swap3A_618] {strides = array<i32>} : memref<256x128xf32, #tpu.memory_space<vmem>>, vector<1x16xf32>,
      %swap3A_620 = vector.shape_cast %swap3A_619 : vector<1x16xf32> to vector<16xf32>
      %swap3A_621 = vector.shape_cast %get3A_616 : vector<16xf32> to vector<1x16xf32>
      tpu.vector_store %arg7[%swap3A_617, %swap3A_618], %swap3A_621 {add = true, strides = array<i32>} : memref<256x128xf32, #tpu.memory_space<vmem>>, vector<1x16xf32>,
      %add3A_622 = arith.constant 224 : i32
      %add3A_623 = arith.addi %add3A_622, %scan3A_584 : i32
      %add3A_624 = arith.constant 32 : i32
      %add3A_625 = arith.addi %add3A_624, %scan3A_584 : i32
      %get3A_626 = arith.index_cast %add3A_625 : i32 to index
      %get3A_627 = arith.constant 48 : index
      %get3A_628 = tpu.vector_load %arg8[%get3A_626, %get3A_627] {strides = array<i32>} : memref<64x128xf32, #tpu.memory_space<vmem>>, vector<1x16xf32>,
      %get3A_629 = vector.shape_cast %get3A_628 : vector<1x16xf32> to vector<16xf32>
      %swap3A_630 = arith.index_cast %add3A_623 : i32 to index
      %swap3A_631 = arith.constant 48 : index
      %swap3A_632 = tpu.vector_load %arg7[%swap3A_630, %swap3A_631] {strides = array<i32>} : memref<256x128xf32, #tpu.memory_space<vmem>>, vector<1x16xf32>,
      %swap3A_633 = vector.shape_cast %swap3A_632 : vector<1x16xf32> to vector<16xf32>
      %swap3A_634 = vector.shape_cast %get3A_629 : vector<16xf32> to vector<1x16xf32>
      tpu.vector_store %arg7[%swap3A_630, %swap3A_631], %swap3A_634 {add = true, strides = array<i32>} : memref<256x128xf32, #tpu.memory_space<vmem>>, vector<1x16xf32>,
      %add3A_635 = arith.constant 224 : i32
      %add3A_636 = arith.addi %add3A_635, %scan3A_584 : i32
      %add3A_637 = arith.constant 32 : i32
      %add3A_638 = arith.addi %add3A_637, %scan3A_584 : i32
      %get3A_639 = arith.index_cast %add3A_638 : i32 to index
      %get3A_640 = arith.constant 64 : index
      %get3A_641 = tpu.vector_load %arg8[%get3A_639, %get3A_640] {strides = array<i32>} : memref<64x128xf32, #tpu.memory_space<vmem>>, vector<1x16xf32>,
      %get3A_642 = vector.shape_cast %get3A_641 : vector<1x16xf32> to vector<16xf32>
      %swap3A_643 = arith.index_cast %add3A_636 : i32 to index
      %swap3A_644 = arith.constant 64 : index
      %swap3A_645 = tpu.vector_load %arg7[%swap3A_643, %swap3A_644] {strides = array<i32>} : memref<256x128xf32, #tpu.memory_space<vmem>>, vector<1x16xf32>,
      %swap3A_646 = vector.shape_cast %swap3A_645 : vector<1x16xf32> to vector<16xf32>
      %swap3A_647 = vector.shape_cast %get3A_642 : vector<16xf32> to vector<1x16xf32>
      tpu.vector_store %arg7[%swap3A_643, %swap3A_644], %swap3A_647 {add = true, strides = array<i32>} : memref<256x128xf32, #tpu.memory_space<vmem>>, vector<1x16xf32>,
      %add3A_648 = arith.constant 224 : i32
      %add3A_649 = arith.addi %add3A_648, %scan3A_584 : i32
      %add3A_650 = arith.constant 32 : i32
      %add3A_651 = arith.addi %add3A_650, %scan3A_584 : i32
      %get3A_652 = arith.index_cast %add3A_651 : i32 to index
      %get3A_653 = arith.constant 80 : index
      %get3A_654 = tpu.vector_load %arg8[%get3A_652, %get3A_653] {strides = array<i32>} : memref<64x128xf32, #tpu.memory_space<vmem>>, vector<1x16xf32>,
      %get3A_655 = vector.shape_cast %get3A_654 : vector<1x16xf32> to vector<16xf32>
      %swap3A_656 = arith.index_cast %add3A_649 : i32 to index
      %swap3A_657 = arith.constant 80 : index
      %swap3A_658 = tpu.vector_load %arg7[%swap3A_656, %swap3A_657] {strides = array<i32>} : memref<256x128xf32, #tpu.memory_space<vmem>>, vector<1x16xf32>,
      %swap3A_659 = vector.shape_cast %swap3A_658 : vector<1x16xf32> to vector<16xf32>
      %swap3A_660 = vector.shape_cast %get3A_655 : vector<16xf32> to vector<1x16xf32>
      tpu.vector_store %arg7[%swap3A_656, %swap3A_657], %swap3A_660 {add = true, strides = array<i32>} : memref<256x128xf32, #tpu.memory_space<vmem>>, vector<1x16xf32>,
      %add3A_661 = arith.constant 224 : i32
      %add3A_662 = arith.addi %add3A_661, %scan3A_584 : i32
      %add3A_663 = arith.constant 32 : i32
      %add3A_664 = arith.addi %add3A_663, %scan3A_584 : i32
      %get3A_665 = arith.index_cast %add3A_664 : i32 to index
      %get3A_666 = arith.constant 96 : index
      %get3A_667 = tpu.vector_load %arg8[%get3A_665, %get3A_666] {strides = array<i32>} : memref<64x128xf32, #tpu.memory_space<vmem>>, vector<1x16xf32>,
      %get3A_668 = vector.shape_cast %get3A_667 : vector<1x16xf32> to vector<16xf32>
      %swap3A_669 = arith.index_cast %add3A_662 : i32 to index
      %swap3A_670 = arith.constant 96 : index
      %swap3A_671 = tpu.vector_load %arg7[%swap3A_669, %swap3A_670] {strides = array<i32>} : memref<256x128xf32, #tpu.memory_space<vmem>>, vector<1x16xf32>,
      %swap3A_672 = vector.shape_cast %swap3A_671 : vector<1x16xf32> to vector<16xf32>
      %swap3A_673 = vector.shape_cast %get3A_668 : vector<16xf32> to vector<1x16xf32>
      tpu.vector_store %arg7[%swap3A_669, %swap3A_670], %swap3A_673 {add = true, strides = array<i32>} : memref<256x128xf32, #tpu.memory_space<vmem>>, vector<1x16xf32>,
      %add3A_674 = arith.constant 224 : i32
      %add3A_675 = arith.addi %add3A_674, %scan3A_584 : i32
      %add3A_676 = arith.constant 32 : i32
      %add3A_677 = arith.addi %add3A_676, %scan3A_584 : i32
      %get3A_678 = arith.index_cast %add3A_677 : i32 to index
      %get3A_679 = arith.constant 112 : index
      %get3A_680 = tpu.vector_load %arg8[%get3A_678, %get3A_679] {strides = array<i32>} : memref<64x128xf32, #tpu.memory_space<vmem>>, vector<1x16xf32>,
      %get3A_681 = vector.shape_cast %get3A_680 : vector<1x16xf32> to vector<16xf32>
      %swap3A_682 = arith.index_cast %add3A_675 : i32 to index
      %swap3A_683 = arith.constant 112 : index
      %swap3A_684 = tpu.vector_load %arg7[%swap3A_682, %swap3A_683] {strides = array<i32>} : memref<256x128xf32, #tpu.memory_space<vmem>>, vector<1x16xf32>,
      %swap3A_685 = vector.shape_cast %swap3A_684 : vector<1x16xf32> to vector<16xf32>
      %swap3A_686 = vector.shape_cast %get3A_681 : vector<16xf32> to vector<1x16xf32>
      tpu.vector_store %arg7[%swap3A_682, %swap3A_683], %swap3A_686 {add = true, strides = array<i32>} : memref<256x128xf32, #tpu.memory_space<vmem>>, vector<1x16xf32>,
    }
    %scan3A_464 = arith.constant 32 : i32
    %add3A_465 = arith.constant 32 : i32
    %add3A_466 = arith.addi %mul3A_2, %add3A_465 : i32
    %dma_start3A_467 = arith.constant 3 : i32
    %dma_start3A_468 = arith.constant 224 : i32
    %dma_start3A_469 = arith.constant 0 : i32
    %dma_start3A_470 = tpu.memref_slice %arg7[%dma_start3A_468, %dma_start3A_469] : memref<256x128xf32, #tpu.memory_space<vmem>> -> memref<32x128xf32, #tpu.memory_space<vmem>>
    %dma_start3A_471 = arith.constant 0 : i32
    %dma_start3A_472 = tpu.memref_slice %arg5[%dma_start3A_467, %add3A_466, %dma_start3A_471] : memref<4x2048x128xf32, #tpu.memory_space<hbm>> -> memref<1x32x128xf32, #tpu.memory_space<hbm>>
    %dma_start3A_473 = tpu.memref_squeeze %dma_start3A_472 : memref<1x32x128xf32, #tpu.memory_space<hbm>> -> memref<32x128xf32, #tpu.memory_space<hbm>>
    %dma_start3A_474 = arith.constant 0 : i32
    %dma_start3A_475 = tpu.memref_slice %arg5[%dma_start3A_467, %add3A_466, %dma_start3A_474] : memref<4x2048x128xf32, #tpu.memory_space<hbm>> -> memref<1x32x128xf32, #tpu.memory_space<hbm>>
    %dma_start3A_476 = tpu.memref_squeeze %dma_start3A_475 : memref<1x32x128xf32, #tpu.memory_space<hbm>> -> memref<32x128xf32, #tpu.memory_space<hbm>>
    %dma_start3A_477 = arith.constant 224 : i32
    %dma_start3A_478 = arith.constant 0 : i32
    %dma_start3A_479 = tpu.memref_slice %arg7[%dma_start3A_477, %dma_start3A_478] : memref<256x128xf32, #tpu.memory_space<vmem>> -> memref<32x128xf32, #tpu.memory_space<vmem>>
    tpu.enqueue_dma source(%dma_start3A_479 : memref<32x128xf32, #tpu.memory_space<vmem>>) target(%dma_start3A_476 : memref<32x128xf32, #tpu.memory_space<hbm>>) target_semaphore(%arg10 : memref<!tpu.dma_semaphore, #tpu.memory_space<semaphore_mem>>)
    %dma_wait3A_480 = arith.constant 0 : i32
    %dma_wait3A_481 = arith.constant 0 : i32
    %dma_wait3A_482 = arith.constant 0 : i32
    %dma_wait3A_483 = tpu.memref_slice %arg7[%dma_wait3A_481, %dma_wait3A_482] : memref<256x128xf32, #tpu.memory_space<vmem>> -> memref<32x128xf32, #tpu.memory_space<vmem>>
    %dma_wait3A_484 = arith.constant 0 : i32
    %dma_wait3A_485 = tpu.memref_slice %arg5[%dma_wait3A_480, %add3A_206, %dma_wait3A_484] : memref<4x2048x128xf32, #tpu.memory_space<hbm>> -> memref<1x32x128xf32, #tpu.memory_space<hbm>>
    %dma_wait3A_486 = tpu.memref_squeeze %dma_wait3A_485 : memref<1x32x128xf32, #tpu.memory_space<hbm>> -> memref<32x128xf32, #tpu.memory_space<hbm>>
    %dma_wait3A_487 = arith.constant 0 : i32
    %dma_wait3A_488 = tpu.memref_slice %arg5[%dma_wait3A_480, %add3A_206, %dma_wait3A_487] : memref<4x2048x128xf32, #tpu.memory_space<hbm>> -> memref<1x32x128xf32, #tpu.memory_space<hbm>>
    %dma_wait3A_489 = tpu.memref_squeeze %dma_wait3A_488 : memref<1x32x128xf32, #tpu.memory_space<hbm>> -> memref<32x128xf32, #tpu.memory_space<hbm>>
    %dma_wait3A_490 = arith.constant 0 : i32
    %dma_wait3A_491 = arith.constant 0 : i32
    %dma_wait3A_492 = tpu.memref_slice %arg7[%dma_wait3A_490, %dma_wait3A_491] : memref<256x128xf32, #tpu.memory_space<vmem>> -> memref<32x128xf32, #tpu.memory_space<vmem>>
    tpu.wait_dma2 semaphore(%arg10 : memref<!tpu.dma_semaphore, #tpu.memory_space<semaphore_mem>>) src(%dma_wait3A_492 : memref<32x128xf32, #tpu.memory_space<vmem>>) dst(%dma_wait3A_489 : memref<32x128xf32, #tpu.memory_space<hbm>>)
    %dma_wait3A_493 = arith.constant 0 : i32
    %dma_wait3A_494 = arith.constant 32 : i32
    %dma_wait3A_495 = arith.constant 0 : i32
    %dma_wait3A_496 = tpu.memref_slice %arg7[%dma_wait3A_494, %dma_wait3A_495] : memref<256x128xf32, #tpu.memory_space<vmem>> -> memref<32x128xf32, #tpu.memory_space<vmem>>
    %dma_wait3A_497 = arith.constant 0 : i32
    %dma_wait3A_498 = tpu.memref_slice %arg5[%dma_wait3A_493, %add3A_260, %dma_wait3A_497] : memref<4x2048x128xf32, #tpu.memory_space<hbm>> -> memref<1x32x128xf32, #tpu.memory_space<hbm>>
    %dma_wait3A_499 = tpu.memref_squeeze %dma_wait3A_498 : memref<1x32x128xf32, #tpu.memory_space<hbm>> -> memref<32x128xf32, #tpu.memory_space<hbm>>
    %dma_wait3A_500 = arith.constant 0 : i32
    %dma_wait3A_501 = tpu.memref_slice %arg5[%dma_wait3A_493, %add3A_260, %dma_wait3A_500] : memref<4x2048x128xf32, #tpu.memory_space<hbm>> -> memref<1x32x128xf32, #tpu.memory_space<hbm>>
    %dma_wait3A_502 = tpu.memref_squeeze %dma_wait3A_501 : memref<1x32x128xf32, #tpu.memory_space<hbm>> -> memref<32x128xf32, #tpu.memory_space<hbm>>
    %dma_wait3A_503 = arith.constant 32 : i32
    %dma_wait3A_504 = arith.constant 0 : i32
    %dma_wait3A_505 = tpu.memref_slice %arg7[%dma_wait3A_503, %dma_wait3A_504] : memref<256x128xf32, #tpu.memory_space<vmem>> -> memref<32x128xf32, #tpu.memory_space<vmem>>
    tpu.wait_dma2 semaphore(%arg10 : memref<!tpu.dma_semaphore, #tpu.memory_space<semaphore_mem>>) src(%dma_wait3A_505 : memref<32x128xf32, #tpu.memory_space<vmem>>) dst(%dma_wait3A_502 : memref<32x128xf32, #tpu.memory_space<hbm>>)
    %dma_wait3A_506 = arith.constant 1 : i32
    %dma_wait3A_507 = arith.constant 64 : i32
    %dma_wait3A_508 = arith.constant 0 : i32
    %dma_wait3A_509 = tpu.memref_slice %arg7[%dma_wait3A_507, %dma_wait3A_508] : memref<256x128xf32, #tpu.memory_space<vmem>> -> memref<32x128xf32, #tpu.memory_space<vmem>>
    %dma_wait3A_510 = arith.constant 0 : i32
    %dma_wait3A_511 = tpu.memref_slice %arg5[%dma_wait3A_506, %add3A_301, %dma_wait3A_510] : memref<4x2048x128xf32, #tpu.memory_space<hbm>> -> memref<1x32x128xf32, #tpu.memory_space<hbm>>
    %dma_wait3A_512 = tpu.memref_squeeze %dma_wait3A_511 : memref<1x32x128xf32, #tpu.memory_space<hbm>> -> memref<32x128xf32, #tpu.memory_space<hbm>>
    %dma_wait3A_513 = arith.constant 0 : i32
    %dma_wait3A_514 = tpu.memref_slice %arg5[%dma_wait3A_506, %add3A_301, %dma_wait3A_513] : memref<4x2048x128xf32, #tpu.memory_space<hbm>> -> memref<1x32x128xf32, #tpu.memory_space<hbm>>
    %dma_wait3A_515 = tpu.memref_squeeze %dma_wait3A_514 : memref<1x32x128xf32, #tpu.memory_space<hbm>> -> memref<32x128xf32, #tpu.memory_space<hbm>>
    %dma_wait3A_516 = arith.constant 64 : i32
    %dma_wait3A_517 = arith.constant 0 : i32
    %dma_wait3A_518 = tpu.memref_slice %arg7[%dma_wait3A_516, %dma_wait3A_517] : memref<256x128xf32, #tpu.memory_space<vmem>> -> memref<32x128xf32, #tpu.memory_space<vmem>>
    tpu.wait_dma2 semaphore(%arg10 : memref<!tpu.dma_semaphore, #tpu.memory_space<semaphore_mem>>) src(%dma_wait3A_518 : memref<32x128xf32, #tpu.memory_space<vmem>>) dst(%dma_wait3A_515 : memref<32x128xf32, #tpu.memory_space<hbm>>)
    %dma_wait3A_519 = arith.constant 1 : i32
    %dma_wait3A_520 = arith.constant 96 : i32
    %dma_wait3A_521 = arith.constant 0 : i32
    %dma_wait3A_522 = tpu.memref_slice %arg7[%dma_wait3A_520, %dma_wait3A_521] : memref<256x128xf32, #tpu.memory_space<vmem>> -> memref<32x128xf32, #tpu.memory_space<vmem>>
    %dma_wait3A_523 = arith.constant 0 : i32
    %dma_wait3A_524 = tpu.memref_slice %arg5[%dma_wait3A_519, %add3A_342, %dma_wait3A_523] : memref<4x2048x128xf32, #tpu.memory_space<hbm>> -> memref<1x32x128xf32, #tpu.memory_space<hbm>>
    %dma_wait3A_525 = tpu.memref_squeeze %dma_wait3A_524 : memref<1x32x128xf32, #tpu.memory_space<hbm>> -> memref<32x128xf32, #tpu.memory_space<hbm>>
    %dma_wait3A_526 = arith.constant 0 : i32
    %dma_wait3A_527 = tpu.memref_slice %arg5[%dma_wait3A_519, %add3A_342, %dma_wait3A_526] : memref<4x2048x128xf32, #tpu.memory_space<hbm>> -> memref<1x32x128xf32, #tpu.memory_space<hbm>>
    %dma_wait3A_528 = tpu.memref_squeeze %dma_wait3A_527 : memref<1x32x128xf32, #tpu.memory_space<hbm>> -> memref<32x128xf32, #tpu.memory_space<hbm>>
    %dma_wait3A_529 = arith.constant 96 : i32
    %dma_wait3A_530 = arith.constant 0 : i32
    %dma_wait3A_531 = tpu.memref_slice %arg7[%dma_wait3A_529, %dma_wait3A_530] : memref<256x128xf32, #tpu.memory_space<vmem>> -> memref<32x128xf32, #tpu.memory_space<vmem>>
    tpu.wait_dma2 semaphore(%arg10 : memref<!tpu.dma_semaphore, #tpu.memory_space<semaphore_mem>>) src(%dma_wait3A_531 : memref<32x128xf32, #tpu.memory_space<vmem>>) dst(%dma_wait3A_528 : memref<32x128xf32, #tpu.memory_space<hbm>>)
    %dma_wait3A_532 = arith.constant 2 : i32
    %dma_wait3A_533 = arith.constant 128 : i32
    %dma_wait3A_534 = arith.constant 0 : i32
    %dma_wait3A_535 = tpu.memref_slice %arg7[%dma_wait3A_533, %dma_wait3A_534] : memref<256x128xf32, #tpu.memory_space<vmem>> -> memref<32x128xf32, #tpu.memory_space<vmem>>
    %dma_wait3A_536 = arith.constant 0 : i32
    %dma_wait3A_537 = tpu.memref_slice %arg5[%dma_wait3A_532, %add3A_373, %dma_wait3A_536] : memref<4x2048x128xf32, #tpu.memory_space<hbm>> -> memref<1x32x128xf32, #tpu.memory_space<hbm>>
    %dma_wait3A_538 = tpu.memref_squeeze %dma_wait3A_537 : memref<1x32x128xf32, #tpu.memory_space<hbm>> -> memref<32x128xf32, #tpu.memory_space<hbm>>
    %dma_wait3A_539 = arith.constant 0 : i32
    %dma_wait3A_540 = tpu.memref_slice %arg5[%dma_wait3A_532, %add3A_373, %dma_wait3A_539] : memref<4x2048x128xf32, #tpu.memory_space<hbm>> -> memref<1x32x128xf32, #tpu.memory_space<hbm>>
    %dma_wait3A_541 = tpu.memref_squeeze %dma_wait3A_540 : memref<1x32x128xf32, #tpu.memory_space<hbm>> -> memref<32x128xf32, #tpu.memory_space<hbm>>
    %dma_wait3A_542 = arith.constant 128 : i32
    %dma_wait3A_543 = arith.constant 0 : i32
    %dma_wait3A_544 = tpu.memref_slice %arg7[%dma_wait3A_542, %dma_wait3A_543] : memref<256x128xf32, #tpu.memory_space<vmem>> -> memref<32x128xf32, #tpu.memory_space<vmem>>
    tpu.wait_dma2 semaphore(%arg10 : memref<!tpu.dma_semaphore, #tpu.memory_space<semaphore_mem>>) src(%dma_wait3A_544 : memref<32x128xf32, #tpu.memory_space<vmem>>) dst(%dma_wait3A_541 : memref<32x128xf32, #tpu.memory_space<hbm>>)
    %dma_wait3A_545 = arith.constant 2 : i32
    %dma_wait3A_546 = arith.constant 160 : i32
    %dma_wait3A_547 = arith.constant 0 : i32
    %dma_wait3A_548 = tpu.memref_slice %arg7[%dma_wait3A_546, %dma_wait3A_547] : memref<256x128xf32, #tpu.memory_space<vmem>> -> memref<32x128xf32, #tpu.memory_space<vmem>>
    %dma_wait3A_549 = arith.constant 0 : i32
    %dma_wait3A_550 = tpu.memref_slice %arg5[%dma_wait3A_545, %add3A_404, %dma_wait3A_549] : memref<4x2048x128xf32, #tpu.memory_space<hbm>> -> memref<1x32x128xf32, #tpu.memory_space<hbm>>
    %dma_wait3A_551 = tpu.memref_squeeze %dma_wait3A_550 : memref<1x32x128xf32, #tpu.memory_space<hbm>> -> memref<32x128xf32, #tpu.memory_space<hbm>>
    %dma_wait3A_552 = arith.constant 0 : i32
    %dma_wait3A_553 = tpu.memref_slice %arg5[%dma_wait3A_545, %add3A_404, %dma_wait3A_552] : memref<4x2048x128xf32, #tpu.memory_space<hbm>> -> memref<1x32x128xf32, #tpu.memory_space<hbm>>
    %dma_wait3A_554 = tpu.memref_squeeze %dma_wait3A_553 : memref<1x32x128xf32, #tpu.memory_space<hbm>> -> memref<32x128xf32, #tpu.memory_space<hbm>>
    %dma_wait3A_555 = arith.constant 160 : i32
    %dma_wait3A_556 = arith.constant 0 : i32
    %dma_wait3A_557 = tpu.memref_slice %arg7[%dma_wait3A_555, %dma_wait3A_556] : memref<256x128xf32, #tpu.memory_space<vmem>> -> memref<32x128xf32, #tpu.memory_space<vmem>>
    tpu.wait_dma2 semaphore(%arg10 : memref<!tpu.dma_semaphore, #tpu.memory_space<semaphore_mem>>) src(%dma_wait3A_557 : memref<32x128xf32, #tpu.memory_space<vmem>>) dst(%dma_wait3A_554 : memref<32x128xf32, #tpu.memory_space<hbm>>)
    %dma_wait3A_558 = arith.constant 3 : i32
    %dma_wait3A_559 = arith.constant 192 : i32
    %dma_wait3A_560 = arith.constant 0 : i32
    %dma_wait3A_561 = tpu.memref_slice %arg7[%dma_wait3A_559, %dma_wait3A_560] : memref<256x128xf32, #tpu.memory_space<vmem>> -> memref<32x128xf32, #tpu.memory_space<vmem>>
    %dma_wait3A_562 = arith.constant 0 : i32
    %dma_wait3A_563 = tpu.memref_slice %arg5[%dma_wait3A_558, %add3A_435, %dma_wait3A_562] : memref<4x2048x128xf32, #tpu.memory_space<hbm>> -> memref<1x32x128xf32, #tpu.memory_space<hbm>>
    %dma_wait3A_564 = tpu.memref_squeeze %dma_wait3A_563 : memref<1x32x128xf32, #tpu.memory_space<hbm>> -> memref<32x128xf32, #tpu.memory_space<hbm>>
    %dma_wait3A_565 = arith.constant 0 : i32
    %dma_wait3A_566 = tpu.memref_slice %arg5[%dma_wait3A_558, %add3A_435, %dma_wait3A_565] : memref<4x2048x128xf32, #tpu.memory_space<hbm>> -> memref<1x32x128xf32, #tpu.memory_space<hbm>>
    %dma_wait3A_567 = tpu.memref_squeeze %dma_wait3A_566 : memref<1x32x128xf32, #tpu.memory_space<hbm>> -> memref<32x128xf32, #tpu.memory_space<hbm>>
    %dma_wait3A_568 = arith.constant 192 : i32
    %dma_wait3A_569 = arith.constant 0 : i32
    %dma_wait3A_570 = tpu.memref_slice %arg7[%dma_wait3A_568, %dma_wait3A_569] : memref<256x128xf32, #tpu.memory_space<vmem>> -> memref<32x128xf32, #tpu.memory_space<vmem>>
    tpu.wait_dma2 semaphore(%arg10 : memref<!tpu.dma_semaphore, #tpu.memory_space<semaphore_mem>>) src(%dma_wait3A_570 : memref<32x128xf32, #tpu.memory_space<vmem>>) dst(%dma_wait3A_567 : memref<32x128xf32, #tpu.memory_space<hbm>>)
    %dma_wait3A_571 = arith.constant 3 : i32
    %dma_wait3A_572 = arith.constant 224 : i32
    %dma_wait3A_573 = arith.constant 0 : i32
    %dma_wait3A_574 = tpu.memref_slice %arg7[%dma_wait3A_572, %dma_wait3A_573] : memref<256x128xf32, #tpu.memory_space<vmem>> -> memref<32x128xf32, #tpu.memory_space<vmem>>
    %dma_wait3A_575 = arith.constant 0 : i32
    %dma_wait3A_576 = tpu.memref_slice %arg5[%dma_wait3A_571, %add3A_466, %dma_wait3A_575] : memref<4x2048x128xf32, #tpu.memory_space<hbm>> -> memref<1x32x128xf32, #tpu.memory_space<hbm>>
    %dma_wait3A_577 = tpu.memref_squeeze %dma_wait3A_576 : memref<1x32x128xf32, #tpu.memory_space<hbm>> -> memref<32x128xf32, #tpu.memory_space<hbm>>
    %dma_wait3A_578 = arith.constant 0 : i32
    %dma_wait3A_579 = tpu.memref_slice %arg5[%dma_wait3A_571, %add3A_466, %dma_wait3A_578] : memref<4x2048x128xf32, #tpu.memory_space<hbm>> -> memref<1x32x128xf32, #tpu.memory_space<hbm>>
    %dma_wait3A_580 = tpu.memref_squeeze %dma_wait3A_579 : memref<1x32x128xf32, #tpu.memory_space<hbm>> -> memref<32x128xf32, #tpu.memory_space<hbm>>
    %dma_wait3A_581 = arith.constant 224 : i32
    %dma_wait3A_582 = arith.constant 0 : i32
    %dma_wait3A_583 = tpu.memref_slice %arg7[%dma_wait3A_581, %dma_wait3A_582] : memref<256x128xf32, #tpu.memory_space<vmem>> -> memref<32x128xf32, #tpu.memory_space<vmem>>
    tpu.wait_dma2 semaphore(%arg10 : memref<!tpu.dma_semaphore, #tpu.memory_space<semaphore_mem>>) src(%dma_wait3A_583 : memref<32x128xf32, #tpu.memory_space<vmem>>) dst(%dma_wait3A_580 : memref<32x128xf32, #tpu.memory_space<hbm>>)
    return
  }
}

</mosaic_0001>

<sc_bundles>
// kernel: _emb.3.cloned.1.call-start
scs
__scs_entry_jumppad:
0x0: {  	(pc) =	sbr.rel $0x88, $3  }
0x1: {  	(tag) =	ssettag $0x0;
	lr =	simm.s32 $0x1  }
0x2: {  	[smem:$0x3F9E] =	sst lr;
	_ =	strace $0xD0000000  }
0x3: {  	_ = 	snop  }
0x4: {  	_ = 	snop  }
0x5: {  	_ = 	snop  }
0x6: {  	_ = 	snop  }
0x7: {  	_ = 	snop  }
__scs_overlays_trampoline_lowered:
0x8: {  	[smem:$0x3FAD] =	sst s0  }
0x9: {  	[smem:$0x3FAE] =	sst s1  }
0xa: {  	[smem:$0x3FAF] =	sst s2  }
0xb: {  	[smem:$0x3FB0] =	sst s3  }
0xc: {  	[smem:$0x3FB1] =	sst s4  }
0xd: {  	[smem:$0x3FB2] =	sst s5  }
0xe: {  	[smem:$0x3FB3] =	sst s6  }
0xf: {  	[smem:$0x3FB4] =	sst s7  }
0x10: {  	[smem:$0x3FB5] =	sst s8  }
0x11: {  	[smem:$0x3FB6] =	sst s9;
	s0 =	simm.s32 @!p0 $0x0  }
0x12: {  	s1 =	sld [smem:$0x3F9C];
	s0 =	simm.s32 @p0 $0x1  }
0x13: {  	[smem:$0x3FB7] =	sst s0;
	s0 =	simm.s32 @!p1 $0x0  }
0x14: {  	s2 =	sld [smem:$0x3F9B];
	s0 =	simm.s32 @p1 $0x1  }
0x15: {  	[smem:$0x3FB8] =	sst s0;
	s0 =	simm.s32 @!p2 $0x0  }
0x16: {  	s3 =	sld [smem:$0x3FDB];
	s0 =	simm.s32 @p2 $0x1  }
0x17: {  	s4 =	simm.s32 $0x1BF5;
	[smem:$0x3FBA] =	sst s0  }
0x18: {  	s0 =	sld [smem:$0x3F9D];
	_ =	swait.ge [sflag:s4], $0x0  }
0x19: {  	s7 =	sld [smem:$0x3F9E]  }
0x1a: {  	s8 =	sadd.s32 $0xFFFFE003, lr  }
0x1b: {  	s9 =	sadd.s32 $0xFFFFFEF7, lr;
	s5 =	simm.s32 $0xFFFFFFFF;
	p2 =	slt.u32 s8, $0xFFFFF086  }
0x1c: {  	p1 =	slt.u32 s9, $0xF7A;
	s5 =	simm.s32 @!p2 $0x0  }
0x1d: {  	s5 =	simm.s32 @p1 $0x1;
	p0 =	seq.s32 s7, s2  }
0x1e: {  	s7 =	smul.u32 @!p0 $0xF7A, s2;
	p2 =	seq.s32 @!p0 s5, $0x0  }
0x1f: {  	s9 =	smul.u32 $0xF7A, s1;
	s8 =	simm.s32 @!p0 $0x1BF5;
	p2 =	por !p2, p0  }
0x20: {  	[sflag:s8] =	ssyncset.s32 @!p0 $0xFFFFF086;
	s6 =	sadd.s32 @!p0 s3, s7;
	s7 =	simm.s32 @!p0 $0x108  }
0x21: {  	s3 =	sadd.s32 s3, s9;
	s6 =	sadd.s32 @!p0 $0x88, s6;
	s7 =	simm.s32 @p2 $0x1082  }
0x22: {  	[simem:s7], [sflag:s8] =	dma.local @!p0 [hbm:s6], $0xF7A  }
0x23: {  	s9 =	sor.u32 $0xD0000000, s2;
	s6 =	simm.s32 $0x108;
	_ =	swait.ge @!p0 [sflag:s8], $0x0  }
0x24: {  	s3 =	sadd.s32 $0x88, s3;
	s6 =	simm.s32 @!p1 $0x1082;
	[sflag:s4] =	ssyncset.s32 $0xFFFFF086  }
0x25: {  	[simem:s6], [sflag:s4] =	dma.local [hbm:s3], $0xF7A  }
0x26: {  	[smem:$0x3F9E] =	sst s1;
	(tag) =	ssettag s2;
	_ =	strace s9  }
0x27: {  	s1 =	sld [smem:$0x3FAE]  }
0x28: {  	s2 =	sld [smem:$0x3FAF]  }
0x29: {  	s4 =	sld [smem:$0x3FB1]  }
0x2a: {  	p0 =	seq.s32 s5, $0x0;
	s5 =	sld [smem:$0x3FB2]  }
0x2b: {  	s6 =	sld [smem:$0x3FB3]  }
0x2c: {  	s7 =	sld [smem:$0x3FB4]  }
0x2d: {  	s3 =	simm.s32 $0x108;
	s8 =	sld [smem:$0x3FB5]  }
0x2e: {  	s3 =	simm.s32 @!p0 $0x1082;
	s9 =	sld [smem:$0x3FB6]  }
0x2f: {  	lr =	sadd.s32 s0, s3;
	s0 =	sld [smem:$0x3FAD]  }
0x30: {  	s3 =	sld [smem:$0x3FB0]  }
0x31: {  	[smem:$0x3FB9] =	sst s10  }
0x32: {  	s10 =	sld [smem:$0x3FB7];
	_ =	sdelay $0x3  }
0x33: {  	p0 =	seq.s32 s10, $0x1;
	s10 =	sld [smem:$0x3FB9];
	_ =	sdelay $0x3  }
0x34: {  	[smem:$0x3FB9] =	sst s10  }
0x35: {  	s10 =	sld [smem:$0x3FB8];
	_ =	sdelay $0x3  }
0x36: {  	p1 =	seq.s32 s10, $0x1;
	s10 =	sld [smem:$0x3FB9];
	_ =	sdelay $0x3  }
0x37: {  	[smem:$0x3FB9] =	sst s10  }
0x38: {  	s10 =	sld [smem:$0x3FBA]  }
0x39: {  	_ = 	snop;
	(pc) =	sbr.ind lr, $3  }
0x3a: {  	_ = 	snop  }
0x3b: {  	_ = 	snop  }
0x3c: {  	p2 =	seq.s32 s10, $0x1;
	s10 =	sld [smem:$0x3FB9]  }
0x3d: {  	_ =	shalt  }
0x3e: {  	_ =	shalt  }
0x3f: {  	_ =	shalt  }
0x40: {  	_ =	shalt  }
0x41: {  	_ =	shalt  }
0x42: {  	_ =	shalt  }
0x43: {  	_ =	shalt  }
0x44: {  	_ =	shalt  }
0x45: {  	_ =	shalt  }
0x46: {  	_ =	shalt  }
0x47: {  	_ =	shalt  }
0x48: {  	_ =	shalt  }
0x49: {  	_ =	shalt  }
0x4a: {  	_ =	shalt  }
0x4b: {  	_ =	shalt  }
0x4c: {  	_ =	shalt  }
0x4d: {  	_ =	shalt  }
0x4e: {  	_ =	shalt  }
0x4f: {  	_ =	shalt  }
0x50: {  	_ =	shalt  }
0x51: {  	_ =	shalt  }
0x52: {  	_ =	shalt  }
0x53: {  	_ =	shalt  }
0x54: {  	_ =	shalt  }
0x55: {  	_ =	shalt  }
0x56: {  	_ =	shalt  }
0x57: {  	_ =	shalt  }
0x58: {  	_ =	shalt  }
0x59: {  	_ =	shalt  }
0x5a: {  	_ =	shalt  }
0x5b: {  	_ =	shalt  }
0x5c: {  	_ =	shalt  }
0x5d: {  	_ =	shalt  }
0x5e: {  	_ =	shalt  }
0x5f: {  	_ =	shalt  }
0x60: {  	_ =	shalt  }
0x61: {  	_ =	shalt  }
0x62: {  	_ =	shalt  }
0x63: {  	_ =	shalt  }
0x64: {  	_ =	shalt  }
0x65: {  	_ =	shalt  }
0x66: {  	_ =	shalt  }
0x67: {  	_ =	shalt  }
0x68: {  	_ =	shalt  }
0x69: {  	_ =	shalt  }
0x6a: {  	_ =	shalt  }
0x6b: {  	_ =	shalt  }
0x6c: {  	_ =	shalt  }
0x6d: {  	_ =	shalt  }
0x6e: {  	_ =	shalt  }
0x6f: {  	_ =	shalt  }
0x70: {  	_ =	shalt  }
0x71: {  	_ =	shalt  }
0x72: {  	_ =	shalt  }
0x73: {  	_ =	shalt  }
0x74: {  	_ =	shalt  }
0x75: {  	_ =	shalt  }
0x76: {  	_ =	shalt  }
0x77: {  	_ =	shalt  }
0x78: {  	_ =	shalt  }
0x79: {  	_ =	shalt  }
0x7a: {  	_ =	shalt  }
0x7b: {  	_ =	shalt  }
0x7c: {  	_ =	shalt  }
0x7d: {  	_ =	shalt  }
0x7e: {  	_ =	shalt  }
0x7f: {  	_ =	shalt  }
0x80: {  	_ =	shalt  }
0x81: {  	_ =	shalt  }
0x82: {  	_ =	shalt  }
0x83: {  	_ =	shalt  }
0x84: {  	_ =	shalt  }
0x85: {  	_ =	shalt  }
0x86: {  	_ =	shalt  }
0x87: {  	_ =	shalt  }
.Lfunc_end0:
.L_simem_size_0:
called_computation_lowered:
.L_overlay_start_0:
0x88: {  	s2 =	sld [smem:$0x3FD9]  }
0x89: {  	s3 =	sld [smem:$0x3FFE];
	_ =	sdelay $0x1  }
0x8a: {  	s1 =	srdreg.scid  }
0x8b: {  	s0 =	sand.u32 $0x1, s1  }
0x8c: {  	s18 =	sshll.u32 s0, $0xA;
	s2 =	sadd.s32 s3, s2  }
0x8d: {  	s2 =	sadd.s32 s2, s18  }
0x8e: {  	[smem:$0x3FC5] =	sst s2  }
0x8f: {  	_ = 	snop  }
0x90: {  	s2 =	sld [smem:$0x3FC9]  }
0x91: {  	s19 =	sld [smem:$0x3FC8]  }
0x92: {  	s4 =	sld [smem:$0x3FC7]  }
0x93: {  	s5 =	sld [smem:$0x3FD0];
	(tm) =	ssettm $0x1  }
0x94: {  	s6 =	sld [smem:$0x3FFB];
	_ =	sdelay $0x3  }
0x95: {  	_ =	strace s6  }
0x96: {  	s6 =	sld [smem:$0x3FFC];
	_ =	sdelay $0x3  }
0x97: {  	_ =	strace s6  }
0x98: {  	s6 =	sld [smem:$0x3FFD];
	_ =	sdelay $0x3  }
0x99: {  	_ =	strace s6  }
0x9a: {  	_ =	strace $0x8FFFFFFF  }
0x9b: {  	s20 =	sld [smem:$0x3FDB];
	_ =	sdelay $0x1  }
0x9c: {  	s7 =	simm.s32 $_scs_section_size  }
0x9d: {  	s8 =	simm.s32 $_size__tile_overlayer_lowered;
	s9 =	simm.s32 $_tile_overlayer_lowered  }
0x9e: {  	s23 =	simm.s32 $0x1BFF;
	s22 =	sshll.u32 s9, $0x1;
	s6 =	sadd.s32 s7, s20  }
0x9f: {  	s10 =	simm.s32 $0x0;
	s21 =	sshll.u32 s8, $0x1;
	s8 =	sadd.s32 s22, s6  }
0xa0: {  	[timem:s10], [sflag:s23] =	dma.local [hbm:s8], s21  }
0xa1: {  	_ =	swait.ge [sflag:s23], s21  }
0xa2: {  	s7 =	ssub.s32 $0x0, s21;
	[sflag:s23] =	ssyncset.done $0x0  }
0xa3: {  	[sflag:s23] =	ssyncadd.s32 s7;
	_ =	sdelay $0x1  }
0xa4: {  	s24 =	simm.s32 $0x1B8B  }
0xa5: {  	_ =	swait.ge [sflag:s24], $0x1  }
0xa6: {  	[sflag:s24] =	ssyncset.done $0x0  }
0xa7: {  	s25 =	simm.s32 $0x1B8E;
	[sflag:s24] =	ssyncadd.s32 $0xFFFFFFFF  }
0xa8: {  	s26 =	simm.s32 $execute0_lowered;
	[smem:$0x3FD2] =	sst s25  }
0xa9: {  	s7 =	sshll.u32 s26, $0x1;
	_ =	strace $0x80000046;
	[dreg:$0x1] =	wrdreg $0xFFFFFFFF  }
0xaa: {  	s28 =	simm.s32 $_size_execute0_lowered;
	s6 =	sadd.s32 s6, s7;
	[dreg:$0x0] =	wrdreg $0x0  }
0xab: {  	s7 =	sshll.u32 s28, $0x1;
	[dreg:$0x2] =	wrdreg s6  }
0xac: {  	[dreg:$0x3] =	wrdreg s7  }
0xad: {  	[dreg:$0x4] =	wrdreg $0xC0  }
0xae: {  	_ =	task [dreg:s10], $0x5FFFF  }
0xaf: {  	[dreg:$0x1] =	wrdreg $0xFFFFFFFF  }
0xb0: {  	[dreg:$0x0] =	wrdreg $0x60  }
0xb1: {  	[dreg:$0x2] =	wrdreg s2  }
0xb2: {  	[dreg:$0x3] =	wrdreg s19  }
0xb3: {  	[dreg:$0x4] =	wrdreg s4  }
0xb4: {  	[dreg:$0x5] =	wrdreg s5  }
0xb5: {  	[dreg:$0x6] =	wrdreg $0x9  }
0xb6: {  	_ =	task.clear_ibuf [dreg:s10], $0x7FFFF;
	_ =	strace $0x90000046  }
0xb7: {  	s29 =	simm.s32 $0x9;
	_ =	strace $0x80000048  }
0xb8: {  	_ =	swait.ge [sflag:s29], $0x1  }
0xb9: {  	[sflag:s29] =	ssyncadd.s32 $0xFFFFFFFF  }
0xba: {  	_ =	strace $0x90000048  }
0xbb: {  	_ =	sfence  }
0xbc: {  	s30 =	sld [smem:$0x0];
	_ =	sdelay $0x2  }
0xbd: {  	s31 =	sshll.u32 s1, $0xD;
	s1 =	sshrl.u32 s1, $0x2  }
0xbe: {  	s3 =	sand.u32 $0x4000, s31;
	s1 =	sadd.s32 s1, s30  }
0xbf: {  	s0 =	sor.u32 s3, s0;
	s1 =	sshll.u32 s1, $0x11  }
0xc0: {  	s0 =	sor.u32 s1, s0  }
0xc1: {  	s0 =	sadd.s32 $0x8F2B, s0  }
0xc2: {  	[sflag:s0] =	ssyncadd.remote.s32 $0x1  }
0xc3: {  	_ =	sfence.sel $0xFFFF  }
0xc4: {  	[dreg:$0x0] =	wrdreg $0xFFFFFFFF;
	(pc) =	sbr.abs _section_cstart, $3  }
0xc5: {  	[dreg:$0x1] =	wrdreg $0xFFFFFFFF  }
0xc6: {  	_ =	task.clear_ibuf [dreg:s10], $0x2FFFF;
	_ =	strace $0x9FFFFFFF  }
0xc7: {  	(tm) =	ssettm $0x7FFFFFFF  }
tec
execute0_lowered:
.L_overlay_start_1:
0x0: {  	(tag) =	ssettag $0x1  }
0x1: {  	s0 =	rddreg [dreg:$0x0]  }
0x2: {  	s1 =	rddreg [dreg:$0x1]  }
0x3: {  	s2 =	srdreg.scid;
	s5 =	rddreg [dreg:$0x2]  }
0x4: {  	s3 =	stileid.u32;
	s6 =	rddreg [dreg:$0x3];
	s21 =	simm.s32 $0x180  }
0x5: {  	s28 =	simm.s32 $0x4;
	s29 =	simm.s32 $0x1200;
	s30 =	simm.s32 $0x5  }
0x6: {  	s31 =	simm.s32 $0x2200;
	s19 =	simm.s32 $0x0;
	s2 =	sand.u32 $0x1, s2  }
0x7: {  	s3 =	sshll.u32 s3, $0x7;
	s4 =	sshll.u32 s2, $0x6;
	s2 =	ssub.s32 $0x2, s2  }
0x8: {  	s7 =	sor.u32 s4, s3;
	s3 =	simm.s32 $0x0;
	s10 =	sshrl.u32 s2, $0x1  }
0x9: {  	s8 =	sshll.u32 s7, $0x2;
	[smem:$0x7FF] =	sst s3;
	s2 =	ssub.s32 s2, s10  }
0xa: {  	s23 =	sshll.u32 s7, $0x4;
	s9 =	sand.u32 $0x1E00, s8;
	_ =	strace $0x80000047  }
0xb: {  	s8 =	sor.u32 s4, s8;
	s7 =	sadd.s32 s5, s23;
	s24 =	sor.u32 $0x200, s23  }
0xc: {  	s18 =	smax.u32 s2, $0x1;
	s2 =	simm.s32 $0x6;
	s9 =	sor.u32 s4, s9  }
0xd: {  	s8 =	sshrl.u32 s8, $0x3;
	[dreg:$0x8] =	wrdreg s7;
	s25 =	sadd.s32 s5, s24  }
0xe: {  	s26 =	sadd.s32 s6, s24;
	s24 =	simm.s32 $0x3;
	s5 =	simm.s32 $0x5200  }
0xf: {  	s7 =	simm.s32 $0x7200;
	s9 =	sshrl.u32 s9, $0x3;
	s22 =	sor.u32 $0x20, s8  }
0x10: {  	s8 =	sor.u32 $0x30, s8;
	[dreg:$0x9] =	wrdreg s25;
	s4 =	sadd.s32 s0, s9  }
0x11: {  	[dreg:$0xa] =	wrdreg s26;
	s25 =	simm.s32 $0x20;
	s9 =	sadd.s32 $0x10, s4  }
0x12: {  	s26 =	simm.s32 $0x200;
	[dreg:$0x5] =	wrdreg s9;
	s9 =	sadd.s32 s0, s22  }
0x13: {  	s0 =	sadd.s32 s0, s8;
	s22 =	simm.s32 $0x3200;
	[dreg:$0x6] =	wrdreg s9  }
0x14: {  	s8 =	simm.s32 $0x2;
	[dreg:$0x7] =	wrdreg s0;
	s9 =	sadd.s32 s6, s23  }
0x15: {  	s23 =	simm.s32 $0x1;
	s0 =	simm.s32 $0x4200;
	s6 =	simm.s32 $0x6200  }
0x16: {  	s12 =	sadd.s32 $0x8000, s9;
	s13 =	sadd.s32 $0x8200, s9;
	s14 =	sadd.s32 $0x10000, s9  }
0x17: {  	s15 =	sadd.s32 $0x10200, s9;
	s16 =	sadd.s32 $0x18000, s9;
	s17 =	sadd.s32 $0x18200, s9  }
.LBB2_1:
0x18: {  	[tilespmem:s3], [sflag:$0x3] =	stream.linear.gather [hbm4b:s4+s3], $0x40, $0x38;
	[tilespmem:$0xA200] =	vst v63  }
0x19: {  	s10 =	rddreg [dreg:$0x5];
	s20 =	simm.s32 $0x80  }
0x1a: {  	[tilespmem:s20], [sflag:$0x4] =	stream.linear.gather [hbm4b:s10+s3], $0x40, $0x38;
	[tilespmem:$0xA200] =	vst v63  }
0x1b: {  	s11 =	simm.s32 $0x100;
	s10 =	rddreg [dreg:$0x6]  }
0x1c: {  	[tilespmem:s11], [sflag:$0x5] =	stream.linear.gather [hbm4b:s10+s3], $0x40, $0x38;
	[tilespmem:$0xA200] =	vst v63  }
0x1d: {  	s10 =	rddreg [dreg:$0x7]  }
0x1e: {  	[tilespmem:s21], [sflag:$0x6] =	stream.linear.gather [hbm4b:s10+s3], $0x40, $0x38;
	[tilespmem:$0xA200] =	vst v63  }
0x1f: {  	s10 =	rddreg [dreg:$0x8];
	s21 =	simm.s32 $0x8200  }
0x20: {  	[tilespmem:s21], [sflag:$0x1] =	stream.linear.gather [hbm4b:s10+s3], $0x1000, $0x38;
	[tilespmem:$0xA200] =	vst v63  }
0x21: {  	s10 =	rddreg [dreg:$0x9];
	s21 =	simm.s32 $0x9200  }
0x22: {  	[tilespmem:s21], [sflag:$0x1] =	stream.linear.gather [hbm4b:s10+s3], $0x1000, $0x38;
	[tilespmem:$0xA200] =	vst v63  }
0x23: {  	_ =	swait.ge [sflag:s24], $0x40  }
0x24: {  	[sflag:s24] =	ssyncset.done $0x0  }
0x25: {  	[sflag:s24] =	ssyncadd.s32 $0xFFFFFFC0  }
0x26: {  	[tilespmem:s26], [sflag:$0x3] =	stream.indirect.gather [hbm4b:s1+s25], $0x80, s3, s25, $0xb8;
	[tilespmem:$0xA200] =	vst v63  }
0x27: {  	_ =	swait.ge [sflag:s28], $0x40  }
0x28: {  	[sflag:s28] =	ssyncset.done $0x0  }
0x29: {  	[sflag:s28] =	ssyncadd.s32 $0xFFFFFFC0  }
0x2a: {  	[tilespmem:s29], [sflag:$0x4] =	stream.indirect.gather [hbm4b:s1+s25], $0x80, s25, s25, $0xb8;
	[tilespmem:$0xA200] =	vst v63  }
0x2b: {  	_ =	swait.ge [sflag:s30], $0x40  }
0x2c: {  	[sflag:s30] =	ssyncset.done $0x0  }
0x2d: {  	[sflag:s30] =	ssyncadd.s32 $0xFFFFFFC0  }
0x2e: {  	[tilespmem:s31], [sflag:$0x5] =	stream.indirect.gather [hbm4b:s1+s25], $0x80, s20, s25, $0xb8;
	[tilespmem:$0xA200] =	vst v63  }
0x2f: {  	_ =	swait.ge [sflag:s2], $0x40  }
0x30: {  	[sflag:s2] =	ssyncset.done $0x0  }
0x31: {  	s21 =	simm.s32 $0xA0;
	[sflag:s2] =	ssyncadd.s32 $0xFFFFFFC0  }
0x32: {  	[tilespmem:s22], [sflag:$0x6] =	stream.indirect.gather [hbm4b:s1+s25], $0x80, s21, s25, $0xb8;
	[tilespmem:$0xA200] =	vst v63  }
0x33: {  	_ =	swait.ge [sflag:s23], $0x1000  }
0x34: {  	[sflag:s23] =	ssyncset.done $0x0  }
0x35: {  	[sflag:s23] =	ssyncadd.s32 $0xFFFFF000  }
0x36: {  	_ =	swait.ge [sflag:s24], $0x1000  }
0x37: {  	[sflag:s24] =	ssyncset.done $0x0  }
0x38: {  	s10 =	simm.s32 $0x0;
	s20 =	simm.s32 $0x200;
	[sflag:s24] =	ssyncadd.s32 $0xFFFFF000  }
0x39: {  	[tilespmem:s0], [sflag:$0x3] =	stream.indirect.gather [hbm4b:s1+s25], $0x80, s11, s25, $0xb8;
	[tilespmem:$0xA200] =	vst v63  }
.LBB2_2:
0x3a: {  	p0 =	sne.s32 s20, $0x3E00;
	v0 =	vld [tilespmem:s10+$0x8270]  }
0x3b: {  	v1 =	vld [tilespmem:s10+$0x8200]  }
0x3c: {  	v2 =	vld [tilespmem:s10+$0x8210]  }
0x3d: {  	v3 =	vld [tilespmem:s10+$0x8220]  }
0x3e: {  	v4 =	vld [tilespmem:s10+$0x8230]  }
0x3f: {  	[tilespmem:s10+$0x270] =	vst.add.f32.msk $0xffff, v0  }
0x40: {  	v0 =	vld [tilespmem:s10+$0x8240]  }
0x41: {  	v5 =	vld [tilespmem:s10+$0x8250]  }
0x42: {  	v6 =	vld [tilespmem:s10+$0x8260]  }
0x43: {  	[tilespmem:s10+$0x200] =	vst.add.f32.msk $0xffff, v1  }
0x44: {  	[tilespmem:s10+$0x210] =	vst.add.f32.msk $0xffff, v2  }
.Ltmp0:
0x45: {  	[tilespmem:s10+$0x220] =	vst.add.f32.msk $0xffff, v3;
	(pc) =	sbr.rel @p0 .LBB2_2-.Ltmp0, $4  }
0x46: {  	[tilespmem:s10+$0x230] =	vst.add.f32.msk $0xffff, v4  }
0x47: {  	[tilespmem:s10+$0x240] =	vst.add.f32.msk $0xffff, v0  }
0x48: {  	[tilespmem:s10+$0x250] =	vst.add.f32.msk $0xffff, v5  }
0x49: {  	[tilespmem:s10+$0x260] =	vst.add.f32.msk $0xffff, v6;
	s10 =	sshra.s32 s20, $0x2;
	s20 =	sadd.s32 $0x200, s20  }
0x4a: {  	v0 =	vld [tilespmem:s10+$0x8270]  }
0x4b: {  	v1 =	vld [tilespmem:s10+$0x8200]  }
0x4c: {  	v2 =	vld [tilespmem:s10+$0x8210]  }
0x4d: {  	v3 =	vld [tilespmem:s10+$0x8220]  }
0x4e: {  	v4 =	vld [tilespmem:s10+$0x8230]  }
0x4f: {  	v63 =	vld [tilespmem:s10+$0x8240]  }
0x50: {  	v5 =	vld [tilespmem:s10+$0x8250]  }
0x51: {  	v6 =	vld [tilespmem:s10+$0x8260]  }
0x52: {  	[tilespmem:s10+$0x270] =	vst.add.f32.msk $0xffff, v0  }
0x53: {  	[tilespmem:s10+$0x200] =	vst.add.f32.msk $0xffff, v1  }
0x54: {  	[tilespmem:s10+$0x210] =	vst.add.f32.msk $0xffff, v2  }
0x55: {  	[tilespmem:s10+$0x220] =	vst.add.f32.msk $0xffff, v3  }
0x56: {  	[tilespmem:s10+$0x230] =	vst.add.f32.msk $0xffff, v4  }
0x57: {  	[tilespmem:s10+$0x240] =	vst.add.f32.msk $0xffff, v63  }
0x58: {  	[tilespmem:s10+$0x250] =	vst.add.f32.msk $0xffff, v5  }
0x59: {  	s20 =	simm.s32 $0x0;
	[tilespmem:s10+$0x260] =	vst.add.f32.msk $0xffff, v6  }
0x5a: {  	[hbm4b:s9+s20] =	stream.linear.scatter [tilespmem:s26], [sflag:$0x2], $0x1000, $0x38;
	[tilespmem:$0xA200] =	vst v63  }
0x5b: {  	_ =	swait.ge [sflag:s23], $0x1000  }
0x5c: {  	[sflag:s23] =	ssyncset.done $0x0  }
0x5d: {  	[sflag:s23] =	ssyncadd.s32 $0xFFFFF000  }
0x5e: {  	_ =	swait.ge [sflag:s28], $0x1000  }
0x5f: {  	s21 =	simm.s32 $0x120;
	[sflag:s28] =	ssyncset.done $0x0  }
0x60: {  	s10 =	simm.s32 $0x0;
	s20 =	simm.s32 $0x200;
	[sflag:s28] =	ssyncadd.s32 $0xFFFFF000  }
0x61: {  	[tilespmem:s5], [sflag:$0x4] =	stream.indirect.gather [hbm4b:s1+s25], $0x80, s21, s25, $0xb8;
	[tilespmem:$0xA200] =	vst v63  }
.LBB2_4:
0x62: {  	p0 =	sne.s32 s20, $0x3E00;
	v0 =	vld [tilespmem:s10+$0x9270]  }
0x63: {  	v1 =	vld [tilespmem:s10+$0x9200]  }
0x64: {  	v2 =	vld [tilespmem:s10+$0x9210]  }
0x65: {  	v3 =	vld [tilespmem:s10+$0x9220]  }
0x66: {  	v4 =	vld [tilespmem:s10+$0x9230]  }
0x67: {  	[tilespmem:s10+$0x1270] =	vst.add.f32.msk $0xffff, v0  }
0x68: {  	v0 =	vld [tilespmem:s10+$0x9240]  }
0x69: {  	v5 =	vld [tilespmem:s10+$0x9250]  }
0x6a: {  	v6 =	vld [tilespmem:s10+$0x9260]  }
0x6b: {  	[tilespmem:s10+$0x1200] =	vst.add.f32.msk $0xffff, v1  }
0x6c: {  	[tilespmem:s10+$0x1210] =	vst.add.f32.msk $0xffff, v2  }
.Ltmp1:
0x6d: {  	[tilespmem:s10+$0x1220] =	vst.add.f32.msk $0xffff, v3;
	(pc) =	sbr.rel @p0 .LBB2_4-.Ltmp1, $4  }
0x6e: {  	[tilespmem:s10+$0x1230] =	vst.add.f32.msk $0xffff, v4  }
0x6f: {  	[tilespmem:s10+$0x1240] =	vst.add.f32.msk $0xffff, v0  }
0x70: {  	[tilespmem:s10+$0x1250] =	vst.add.f32.msk $0xffff, v5  }
0x71: {  	[tilespmem:s10+$0x1260] =	vst.add.f32.msk $0xffff, v6;
	s10 =	sshra.s32 s20, $0x2;
	s20 =	sadd.s32 $0x200, s20  }
0x72: {  	v0 =	vld [tilespmem:s10+$0x9270]  }
0x73: {  	v1 =	vld [tilespmem:s10+$0x9200]  }
0x74: {  	v2 =	vld [tilespmem:s10+$0x9210]  }
0x75: {  	v3 =	vld [tilespmem:s10+$0x9220]  }
0x76: {  	v4 =	vld [tilespmem:s10+$0x9230]  }
0x77: {  	v63 =	vld [tilespmem:s10+$0x9240]  }
0x78: {  	v5 =	vld [tilespmem:s10+$0x9250]  }
0x79: {  	v6 =	vld [tilespmem:s10+$0x9260]  }
0x7a: {  	[tilespmem:s10+$0x1270] =	vst.add.f32.msk $0xffff, v0  }
0x7b: {  	[tilespmem:s10+$0x1200] =	vst.add.f32.msk $0xffff, v1  }
0x7c: {  	[tilespmem:s10+$0x1210] =	vst.add.f32.msk $0xffff, v2  }
0x7d: {  	[tilespmem:s10+$0x1220] =	vst.add.f32.msk $0xffff, v3  }
0x7e: {  	[tilespmem:s10+$0x1230] =	vst.add.f32.msk $0xffff, v4  }
0x7f: {  	[tilespmem:s10+$0x1240] =	vst.add.f32.msk $0xffff, v63  }
0x80: {  	[tilespmem:s10+$0x1250] =	vst.add.f32.msk $0xffff, v5  }
0x81: {  	s21 =	simm.s32 $0x0;
	s11 =	rddreg [dreg:$0xa];
	[tilespmem:s10+$0x1260] =	vst.add.f32.msk $0xffff, v6  }
0x82: {  	[hbm4b:s11+s21] =	stream.linear.scatter [tilespmem:s29], [sflag:$0x2], $0x1000, $0x38;
	[tilespmem:$0xA200] =	vst v63  }
0x83: {  	_ =	swait.ge [sflag:s30], $0x1000  }
0x84: {  	s20 =	simm.s32 $0x200;
	[sflag:s30] =	ssyncset.done $0x0  }
0x85: {  	s10 =	simm.s32 $0x0;
	s21 =	simm.s32 $0x180;
	[sflag:s30] =	ssyncadd.s32 $0xFFFFF000  }
0x86: {  	[tilespmem:s6], [sflag:$0x5] =	stream.indirect.gather [hbm4b:s1+s25], $0x80, s21, s25, $0xb8;
	[tilespmem:$0xA200] =	vst v63  }
.LBB2_6:
0x87: {  	p0 =	sne.s32 s20, $0x3E00;
	v0 =	vld [tilespmem:s10+$0x8270]  }
0x88: {  	v1 =	vld [tilespmem:s10+$0x8200]  }
0x89: {  	v2 =	vld [tilespmem:s10+$0x8210]  }
0x8a: {  	v3 =	vld [tilespmem:s10+$0x8220]  }
0x8b: {  	v4 =	vld [tilespmem:s10+$0x8230]  }
0x8c: {  	[tilespmem:s10+$0x2270] =	vst.add.f32.msk $0xffff, v0  }
0x8d: {  	v0 =	vld [tilespmem:s10+$0x8240]  }
0x8e: {  	v5 =	vld [tilespmem:s10+$0x8250]  }
0x8f: {  	v6 =	vld [tilespmem:s10+$0x8260]  }
0x90: {  	[tilespmem:s10+$0x2200] =	vst.add.f32.msk $0xffff, v1  }
0x91: {  	[tilespmem:s10+$0x2210] =	vst.add.f32.msk $0xffff, v2  }
.Ltmp2:
0x92: {  	[tilespmem:s10+$0x2220] =	vst.add.f32.msk $0xffff, v3;
	(pc) =	sbr.rel @p0 .LBB2_6-.Ltmp2, $4  }
0x93: {  	[tilespmem:s10+$0x2230] =	vst.add.f32.msk $0xffff, v4  }
0x94: {  	[tilespmem:s10+$0x2240] =	vst.add.f32.msk $0xffff, v0  }
0x95: {  	[tilespmem:s10+$0x2250] =	vst.add.f32.msk $0xffff, v5  }
0x96: {  	[tilespmem:s10+$0x2260] =	vst.add.f32.msk $0xffff, v6;
	s10 =	sshra.s32 s20, $0x2;
	s20 =	sadd.s32 $0x200, s20  }
0x97: {  	v0 =	vld [tilespmem:s10+$0x8270]  }
0x98: {  	v1 =	vld [tilespmem:s10+$0x8200]  }
0x99: {  	v2 =	vld [tilespmem:s10+$0x8210]  }
0x9a: {  	v3 =	vld [tilespmem:s10+$0x8220]  }
0x9b: {  	v4 =	vld [tilespmem:s10+$0x8230]  }
0x9c: {  	v63 =	vld [tilespmem:s10+$0x8240]  }
0x9d: {  	v5 =	vld [tilespmem:s10+$0x8250]  }
0x9e: {  	v6 =	vld [tilespmem:s10+$0x8260]  }
0x9f: {  	[tilespmem:s10+$0x2270] =	vst.add.f32.msk $0xffff, v0  }
0xa0: {  	[tilespmem:s10+$0x2200] =	vst.add.f32.msk $0xffff, v1  }
0xa1: {  	[tilespmem:s10+$0x2210] =	vst.add.f32.msk $0xffff, v2  }
0xa2: {  	[tilespmem:s10+$0x2220] =	vst.add.f32.msk $0xffff, v3  }
0xa3: {  	[tilespmem:s10+$0x2230] =	vst.add.f32.msk $0xffff, v4  }
0xa4: {  	[tilespmem:s10+$0x2240] =	vst.add.f32.msk $0xffff, v63  }
0xa5: {  	[tilespmem:s10+$0x2250] =	vst.add.f32.msk $0xffff, v5  }
0xa6: {  	s11 =	simm.s32 $0x0;
	[tilespmem:s10+$0x2260] =	vst.add.f32.msk $0xffff, v6  }
0xa7: {  	[hbm4b:s12+s11] =	stream.linear.scatter [tilespmem:s31], [sflag:$0x2], $0x1000, $0x38;
	[tilespmem:$0xA200] =	vst v63  }
0xa8: {  	_ =	swait.ge [sflag:s2], $0x1000  }
0xa9: {  	[sflag:s2] =	ssyncset.done $0x0  }
0xaa: {  	s20 =	simm.s32 $0x1A0;
	[sflag:s2] =	ssyncadd.s32 $0xFFFFF000  }
0xab: {  	[tilespmem:s7], [sflag:$0x6] =	stream.indirect.gather [hbm4b:s1+s25], $0x80, s20, s25, $0xb8;
	[tilespmem:$0xA200] =	vst v63  }
0xac: {  	s10 =	simm.s32 $0x0;
	s20 =	simm.s32 $0x200  }
.LBB2_8:
0xad: {  	p0 =	sne.s32 s20, $0x3E00;
	v0 =	vld [tilespmem:s10+$0x9270]  }
0xae: {  	v1 =	vld [tilespmem:s10+$0x9200]  }
0xaf: {  	v2 =	vld [tilespmem:s10+$0x9210]  }
0xb0: {  	v3 =	vld [tilespmem:s10+$0x9220]  }
0xb1: {  	v4 =	vld [tilespmem:s10+$0x9230]  }
0xb2: {  	[tilespmem:s10+$0x3270] =	vst.add.f32.msk $0xffff, v0  }
0xb3: {  	v0 =	vld [tilespmem:s10+$0x9240]  }
0xb4: {  	v5 =	vld [tilespmem:s10+$0x9250]  }
0xb5: {  	v6 =	vld [tilespmem:s10+$0x9260]  }
0xb6: {  	[tilespmem:s10+$0x3200] =	vst.add.f32.msk $0xffff, v1  }
0xb7: {  	[tilespmem:s10+$0x3210] =	vst.add.f32.msk $0xffff, v2  }
.Ltmp3:
0xb8: {  	[tilespmem:s10+$0x3220] =	vst.add.f32.msk $0xffff, v3;
	(pc) =	sbr.rel @p0 .LBB2_8-.Ltmp3, $4  }
0xb9: {  	[tilespmem:s10+$0x3230] =	vst.add.f32.msk $0xffff, v4  }
0xba: {  	[tilespmem:s10+$0x3240] =	vst.add.f32.msk $0xffff, v0  }
0xbb: {  	[tilespmem:s10+$0x3250] =	vst.add.f32.msk $0xffff, v5  }
0xbc: {  	[tilespmem:s10+$0x3260] =	vst.add.f32.msk $0xffff, v6;
	s10 =	sshra.s32 s20, $0x2;
	s20 =	sadd.s32 $0x200, s20  }
0xbd: {  	v0 =	vld [tilespmem:s10+$0x9270]  }
0xbe: {  	v1 =	vld [tilespmem:s10+$0x9200]  }
0xbf: {  	v2 =	vld [tilespmem:s10+$0x9210]  }
0xc0: {  	v3 =	vld [tilespmem:s10+$0x9220]  }
0xc1: {  	v4 =	vld [tilespmem:s10+$0x9230]  }
0xc2: {  	v63 =	vld [tilespmem:s10+$0x9240]  }
0xc3: {  	v5 =	vld [tilespmem:s10+$0x9250]  }
0xc4: {  	v6 =	vld [tilespmem:s10+$0x9260]  }
0xc5: {  	[tilespmem:s10+$0x3270] =	vst.add.f32.msk $0xffff, v0  }
0xc6: {  	[tilespmem:s10+$0x3200] =	vst.add.f32.msk $0xffff, v1  }
0xc7: {  	[tilespmem:s10+$0x3210] =	vst.add.f32.msk $0xffff, v2  }
0xc8: {  	[tilespmem:s10+$0x3220] =	vst.add.f32.msk $0xffff, v3  }
0xc9: {  	[tilespmem:s10+$0x3230] =	vst.add.f32.msk $0xffff, v4  }
0xca: {  	[tilespmem:s10+$0x3240] =	vst.add.f32.msk $0xffff, v63  }
0xcb: {  	[tilespmem:s10+$0x3250] =	vst.add.f32.msk $0xffff, v5  }
0xcc: {  	s20 =	simm.s32 $0x0;
	[tilespmem:s10+$0x3260] =	vst.add.f32.msk $0xffff, v6  }
0xcd: {  	[hbm4b:s13+s20] =	stream.linear.scatter [tilespmem:s22], [sflag:$0x2], $0x1000, $0x38;
	[tilespmem:$0xA200] =	vst v63  }
0xce: {  	_ =	swait.ge [sflag:s24], $0x1000  }
0xcf: {  	[sflag:s24] =	ssyncset.done $0x0  }
0xd0: {  	s10 =	simm.s32 $0x0;
	s20 =	simm.s32 $0x200;
	[sflag:s24] =	ssyncadd.s32 $0xFFFFF000  }
.LBB2_10:
0xd1: {  	p0 =	sne.s32 s20, $0x3E00;
	v0 =	vld [tilespmem:s10+$0x8270]  }
0xd2: {  	v1 =	vld [tilespmem:s10+$0x8200]  }
0xd3: {  	v2 =	vld [tilespmem:s10+$0x8210]  }
0xd4: {  	v3 =	vld [tilespmem:s10+$0x8220]  }
0xd5: {  	v4 =	vld [tilespmem:s10+$0x8230]  }
0xd6: {  	[tilespmem:s10+$0x4270] =	vst.add.f32.msk $0xffff, v0  }
0xd7: {  	v0 =	vld [tilespmem:s10+$0x8240]  }
0xd8: {  	v5 =	vld [tilespmem:s10+$0x8250]  }
0xd9: {  	v6 =	vld [tilespmem:s10+$0x8260]  }
0xda: {  	[tilespmem:s10+$0x4200] =	vst.add.f32.msk $0xffff, v1  }
0xdb: {  	[tilespmem:s10+$0x4210] =	vst.add.f32.msk $0xffff, v2  }
.Ltmp4:
0xdc: {  	[tilespmem:s10+$0x4220] =	vst.add.f32.msk $0xffff, v3;
	(pc) =	sbr.rel @p0 .LBB2_10-.Ltmp4, $4  }
0xdd: {  	[tilespmem:s10+$0x4230] =	vst.add.f32.msk $0xffff, v4  }
0xde: {  	[tilespmem:s10+$0x4240] =	vst.add.f32.msk $0xffff, v0  }
0xdf: {  	[tilespmem:s10+$0x4250] =	vst.add.f32.msk $0xffff, v5  }
0xe0: {  	[tilespmem:s10+$0x4260] =	vst.add.f32.msk $0xffff, v6;
	s10 =	sshra.s32 s20, $0x2;
	s20 =	sadd.s32 $0x200, s20  }
0xe1: {  	v0 =	vld [tilespmem:s10+$0x8270]  }
0xe2: {  	v1 =	vld [tilespmem:s10+$0x8200]  }
0xe3: {  	v2 =	vld [tilespmem:s10+$0x8210]  }
0xe4: {  	v3 =	vld [tilespmem:s10+$0x8220]  }
0xe5: {  	v4 =	vld [tilespmem:s10+$0x8230]  }
0xe6: {  	v63 =	vld [tilespmem:s10+$0x8240]  }
0xe7: {  	v5 =	vld [tilespmem:s10+$0x8250]  }
0xe8: {  	v6 =	vld [tilespmem:s10+$0x8260]  }
0xe9: {  	[tilespmem:s10+$0x4270] =	vst.add.f32.msk $0xffff, v0  }
0xea: {  	[tilespmem:s10+$0x4200] =	vst.add.f32.msk $0xffff, v1  }
0xeb: {  	[tilespmem:s10+$0x4210] =	vst.add.f32.msk $0xffff, v2  }
0xec: {  	[tilespmem:s10+$0x4220] =	vst.add.f32.msk $0xffff, v3  }
0xed: {  	[tilespmem:s10+$0x4230] =	vst.add.f32.msk $0xffff, v4  }
0xee: {  	[tilespmem:s10+$0x4240] =	vst.add.f32.msk $0xffff, v63  }
0xef: {  	[tilespmem:s10+$0x4250] =	vst.add.f32.msk $0xffff, v5  }
0xf0: {  	s20 =	simm.s32 $0x0;
	[tilespmem:s10+$0x4260] =	vst.add.f32.msk $0xffff, v6  }
0xf1: {  	[hbm4b:s14+s20] =	stream.linear.scatter [tilespmem:s0], [sflag:$0x2], $0x1000, $0x38;
	[tilespmem:$0xA200] =	vst v63  }
0xf2: {  	_ =	swait.ge [sflag:s28], $0x1000  }
0xf3: {  	[sflag:s28] =	ssyncset.done $0x0  }
0xf4: {  	s10 =	simm.s32 $0x0;
	s20 =	simm.s32 $0x200;
	[sflag:s28] =	ssyncadd.s32 $0xFFFFF000  }
.LBB2_12:
0xf5: {  	p0 =	sne.s32 s20, $0x3E00;
	v0 =	vld [tilespmem:s10+$0x9270]  }
0xf6: {  	v1 =	vld [tilespmem:s10+$0x9200]  }
0xf7: {  	v2 =	vld [tilespmem:s10+$0x9210]  }
0xf8: {  	v3 =	vld [tilespmem:s10+$0x9220]  }
0xf9: {  	v4 =	vld [tilespmem:s10+$0x9230]  }
0xfa: {  	[tilespmem:s10+$0x5270] =	vst.add.f32.msk $0xffff, v0  }
0xfb: {  	v0 =	vld [tilespmem:s10+$0x9240]  }
0xfc: {  	v5 =	vld [tilespmem:s10+$0x9250]  }
0xfd: {  	v6 =	vld [tilespmem:s10+$0x9260]  }
0xfe: {  	[tilespmem:s10+$0x5200] =	vst.add.f32.msk $0xffff, v1  }
0xff: {  	[tilespmem:s10+$0x5210] =	vst.add.f32.msk $0xffff, v2  }
.Ltmp5:
0x100: {  	[tilespmem:s10+$0x5220] =	vst.add.f32.msk $0xffff, v3;
	(pc) =	sbr.rel @p0 .LBB2_12-.Ltmp5, $4  }
0x101: {  	[tilespmem:s10+$0x5230] =	vst.add.f32.msk $0xffff, v4  }
0x102: {  	[tilespmem:s10+$0x5240] =	vst.add.f32.msk $0xffff, v0  }
0x103: {  	[tilespmem:s10+$0x5250] =	vst.add.f32.msk $0xffff, v5  }
0x104: {  	[tilespmem:s10+$0x5260] =	vst.add.f32.msk $0xffff, v6;
	s10 =	sshra.s32 s20, $0x2;
	s20 =	sadd.s32 $0x200, s20  }
0x105: {  	v0 =	vld [tilespmem:s10+$0x9270]  }
0x106: {  	v1 =	vld [tilespmem:s10+$0x9200]  }
0x107: {  	v2 =	vld [tilespmem:s10+$0x9210]  }
0x108: {  	v3 =	vld [tilespmem:s10+$0x9220]  }
0x109: {  	v4 =	vld [tilespmem:s10+$0x9230]  }
0x10a: {  	v63 =	vld [tilespmem:s10+$0x9240]  }
0x10b: {  	v5 =	vld [tilespmem:s10+$0x9250]  }
0x10c: {  	v6 =	vld [tilespmem:s10+$0x9260]  }
0x10d: {  	[tilespmem:s10+$0x5270] =	vst.add.f32.msk $0xffff, v0  }
0x10e: {  	[tilespmem:s10+$0x5200] =	vst.add.f32.msk $0xffff, v1  }
0x10f: {  	[tilespmem:s10+$0x5210] =	vst.add.f32.msk $0xffff, v2  }
0x110: {  	[tilespmem:s10+$0x5220] =	vst.add.f32.msk $0xffff, v3  }
0x111: {  	[tilespmem:s10+$0x5230] =	vst.add.f32.msk $0xffff, v4  }
0x112: {  	[tilespmem:s10+$0x5240] =	vst.add.f32.msk $0xffff, v63  }
0x113: {  	[tilespmem:s10+$0x5250] =	vst.add.f32.msk $0xffff, v5  }
0x114: {  	s20 =	simm.s32 $0x0;
	[tilespmem:s10+$0x5260] =	vst.add.f32.msk $0xffff, v6  }
0x115: {  	[hbm4b:s15+s20] =	stream.linear.scatter [tilespmem:s5], [sflag:$0x2], $0x1000, $0x38;
	[tilespmem:$0xA200] =	vst v63  }
0x116: {  	_ =	swait.ge [sflag:s30], $0x1000  }
0x117: {  	[sflag:s30] =	ssyncset.done $0x0  }
0x118: {  	s10 =	simm.s32 $0x0;
	s20 =	simm.s32 $0x200;
	[sflag:s30] =	ssyncadd.s32 $0xFFFFF000  }
.LBB2_14:
0x119: {  	p0 =	sne.s32 s20, $0x3E00;
	v0 =	vld [tilespmem:s10+$0x8270]  }
0x11a: {  	v1 =	vld [tilespmem:s10+$0x8200]  }
0x11b: {  	v2 =	vld [tilespmem:s10+$0x8210]  }
0x11c: {  	v3 =	vld [tilespmem:s10+$0x8220]  }
0x11d: {  	v4 =	vld [tilespmem:s10+$0x8230]  }
0x11e: {  	[tilespmem:s10+$0x6270] =	vst.add.f32.msk $0xffff, v0  }
0x11f: {  	v0 =	vld [tilespmem:s10+$0x8240]  }
0x120: {  	v5 =	vld [tilespmem:s10+$0x8250]  }
0x121: {  	v6 =	vld [tilespmem:s10+$0x8260]  }
0x122: {  	[tilespmem:s10+$0x6200] =	vst.add.f32.msk $0xffff, v1  }
0x123: {  	[tilespmem:s10+$0x6210] =	vst.add.f32.msk $0xffff, v2  }
.Ltmp6:
0x124: {  	[tilespmem:s10+$0x6220] =	vst.add.f32.msk $0xffff, v3;
	(pc) =	sbr.rel @p0 .LBB2_14-.Ltmp6, $4  }
0x125: {  	[tilespmem:s10+$0x6230] =	vst.add.f32.msk $0xffff, v4  }
0x126: {  	[tilespmem:s10+$0x6240] =	vst.add.f32.msk $0xffff, v0  }
0x127: {  	[tilespmem:s10+$0x6250] =	vst.add.f32.msk $0xffff, v5  }
0x128: {  	[tilespmem:s10+$0x6260] =	vst.add.f32.msk $0xffff, v6;
	s10 =	sshra.s32 s20, $0x2;
	s20 =	sadd.s32 $0x200, s20  }
0x129: {  	v0 =	vld [tilespmem:s10+$0x8270]  }
0x12a: {  	v1 =	vld [tilespmem:s10+$0x8200]  }
0x12b: {  	v2 =	vld [tilespmem:s10+$0x8210]  }
0x12c: {  	v3 =	vld [tilespmem:s10+$0x8220]  }
0x12d: {  	v4 =	vld [tilespmem:s10+$0x8230]  }
0x12e: {  	v63 =	vld [tilespmem:s10+$0x8240]  }
0x12f: {  	v5 =	vld [tilespmem:s10+$0x8250]  }
0x130: {  	v6 =	vld [tilespmem:s10+$0x8260]  }
0x131: {  	[tilespmem:s10+$0x6270] =	vst.add.f32.msk $0xffff, v0  }
0x132: {  	[tilespmem:s10+$0x6200] =	vst.add.f32.msk $0xffff, v1  }
0x133: {  	[tilespmem:s10+$0x6210] =	vst.add.f32.msk $0xffff, v2  }
0x134: {  	[tilespmem:s10+$0x6220] =	vst.add.f32.msk $0xffff, v3  }
0x135: {  	[tilespmem:s10+$0x6230] =	vst.add.f32.msk $0xffff, v4  }
0x136: {  	[tilespmem:s10+$0x6240] =	vst.add.f32.msk $0xffff, v63  }
0x137: {  	[tilespmem:s10+$0x6250] =	vst.add.f32.msk $0xffff, v5  }
0x138: {  	s20 =	simm.s32 $0x0;
	[tilespmem:s10+$0x6260] =	vst.add.f32.msk $0xffff, v6  }
0x139: {  	[hbm4b:s16+s20] =	stream.linear.scatter [tilespmem:s6], [sflag:$0x2], $0x1000, $0x38;
	[tilespmem:$0xA200] =	vst v63  }
0x13a: {  	_ =	swait.ge [sflag:s2], $0x1000  }
0x13b: {  	[sflag:s2] =	ssyncset.done $0x0  }
0x13c: {  	s10 =	simm.s32 $0x0;
	s20 =	simm.s32 $0x200;
	[sflag:s2] =	ssyncadd.s32 $0xFFFFF000  }
.LBB2_16:
0x13d: {  	p0 =	sne.s32 s20, $0x3E00;
	v0 =	vld [tilespmem:s10+$0x9270]  }
0x13e: {  	v1 =	vld [tilespmem:s10+$0x9200]  }
0x13f: {  	v2 =	vld [tilespmem:s10+$0x9210]  }
0x140: {  	v3 =	vld [tilespmem:s10+$0x9220]  }
0x141: {  	v4 =	vld [tilespmem:s10+$0x9230]  }
0x142: {  	[tilespmem:s10+$0x7270] =	vst.add.f32.msk $0xffff, v0  }
0x143: {  	v0 =	vld [tilespmem:s10+$0x9240]  }
0x144: {  	v5 =	vld [tilespmem:s10+$0x9250]  }
0x145: {  	v6 =	vld [tilespmem:s10+$0x9260]  }
0x146: {  	[tilespmem:s10+$0x7200] =	vst.add.f32.msk $0xffff, v1  }
0x147: {  	[tilespmem:s10+$0x7210] =	vst.add.f32.msk $0xffff, v2  }
.Ltmp7:
0x148: {  	[tilespmem:s10+$0x7220] =	vst.add.f32.msk $0xffff, v3;
	(pc) =	sbr.rel @p0 .LBB2_16-.Ltmp7, $4  }
0x149: {  	[tilespmem:s10+$0x7230] =	vst.add.f32.msk $0xffff, v4  }
0x14a: {  	[tilespmem:s10+$0x7240] =	vst.add.f32.msk $0xffff, v0  }
0x14b: {  	[tilespmem:s10+$0x7250] =	vst.add.f32.msk $0xffff, v5  }
0x14c: {  	[tilespmem:s10+$0x7260] =	vst.add.f32.msk $0xffff, v6;
	s10 =	sshra.s32 s20, $0x2;
	s20 =	sadd.s32 $0x200, s20  }
0x14d: {  	v0 =	vld [tilespmem:s10+$0x9270]  }
0x14e: {  	v1 =	vld [tilespmem:s10+$0x9200]  }
0x14f: {  	v2 =	vld [tilespmem:s10+$0x9210]  }
0x150: {  	v3 =	vld [tilespmem:s10+$0x9220]  }
0x151: {  	v4 =	vld [tilespmem:s10+$0x9230]  }
0x152: {  	v63 =	vld [tilespmem:s10+$0x9240]  }
0x153: {  	v5 =	vld [tilespmem:s10+$0x9250]  }
0x154: {  	v6 =	vld [tilespmem:s10+$0x9260]  }
0x155: {  	[tilespmem:s10+$0x7270] =	vst.add.f32.msk $0xffff, v0  }
0x156: {  	[tilespmem:s10+$0x7200] =	vst.add.f32.msk $0xffff, v1  }
0x157: {  	[tilespmem:s10+$0x7210] =	vst.add.f32.msk $0xffff, v2  }
0x158: {  	[tilespmem:s10+$0x7220] =	vst.add.f32.msk $0xffff, v3  }
0x159: {  	[tilespmem:s10+$0x7230] =	vst.add.f32.msk $0xffff, v4  }
0x15a: {  	[tilespmem:s10+$0x7240] =	vst.add.f32.msk $0xffff, v63  }
0x15b: {  	[tilespmem:s10+$0x7250] =	vst.add.f32.msk $0xffff, v5  }
0x15c: {  	[tilespmem:s10+$0x7260] =	vst.add.f32.msk $0xffff, v6  }
0x15d: {  	[hbm4b:s17+s3] =	stream.linear.scatter [tilespmem:s7], [sflag:$0x2], $0x1000, $0x38;
	[tilespmem:$0xA200] =	vst v63  }
0x15e: {  	_ =	swait.ge [sflag:s8], $0x1000  }
0x15f: {  	[sflag:s8] =	ssyncset.done $0x0  }
0x160: {  	[sflag:s8] =	ssyncadd.s32 $0xFFFFF000  }
0x161: {  	_ =	swait.ge [sflag:s8], $0x1000  }
0x162: {  	[sflag:s8] =	ssyncset.done $0x0  }
0x163: {  	[sflag:s8] =	ssyncadd.s32 $0xFFFFF000  }
0x164: {  	_ =	swait.ge [sflag:s8], $0x1000  }
0x165: {  	[sflag:s8] =	ssyncset.done $0x0  }
0x166: {  	[sflag:s8] =	ssyncadd.s32 $0xFFFFF000  }
0x167: {  	_ =	swait.ge [sflag:s8], $0x1000  }
0x168: {  	[sflag:s8] =	ssyncset.done $0x0  }
0x169: {  	[sflag:s8] =	ssyncadd.s32 $0xFFFFF000  }
0x16a: {  	_ =	swait.ge [sflag:s8], $0x1000  }
0x16b: {  	[sflag:s8] =	ssyncset.done $0x0  }
0x16c: {  	[sflag:s8] =	ssyncadd.s32 $0xFFFFF000  }
0x16d: {  	_ =	swait.ge [sflag:s8], $0x1000  }
0x16e: {  	[sflag:s8] =	ssyncset.done $0x0  }
0x16f: {  	s19 =	sadd.s32 $0x1, s19;
	[sflag:s8] =	ssyncadd.s32 $0xFFFFF000  }
0x170: {  	p0 =	sne.s32 s19, s18;
	_ =	swait.ge [sflag:s8], $0x1000  }
.Ltmp8:
0x171: {  	[sflag:s8] =	ssyncset.done $0x0;
	(pc) =	sbr.rel @p0 .LBB2_1-.Ltmp8, $4  }
0x172: {  	[sflag:s8] =	ssyncadd.s32 $0xFFFFF000  }
0x173: {  	_ =	swait.ge [sflag:s8], $0x1000  }
0x174: {  	[sflag:s8] =	ssyncset.done $0x0  }
0x175: {  	[sflag:s8] =	ssyncadd.s32 $0xFFFFF000  }
0x176: {  	_ =	sfence.sel $0x180000  }
0x177: {  	[bflag:$0x0] =	sbarrier.arrive $0xFFFF  }
0x178: {  	_ =	strace $0x90000047  }
0x179: {  	s0 =	stileid.u32;
	[bflag:$0x2] =	sbarrier.arrive $0xFFFF  }
0x17a: {  	p0 =	sne.s32 s0, $0x0;
	s0 =	rddreg [dreg:$0x4]  }
0x17b: {  	s0 =	sadd.s32 @!p0 $0x100000, s0  }
0x17c: {  	[sflag:s0] =	ssyncadd.tile.s32 @!p0 $0x1;
	_ =	shalt  }
.Lfunc_end2:
_tile_overlayer_lowered:
.L_overlay_start_2:
0x17d: {  	(tag) =	ssettag $0x2  }
0x17e: {  	s0 =	rddreg [dreg:$0x0];
	s2 =	stileid.u32  }
0x17f: {  	s1 =	rddreg [dreg:$0x1];
	p0 =	sne.s32 s2, $0x0  }
0x180: {  	s3 =	rddreg [dreg:$0x2];
	[bflag:$0x3] =	sbarrier.arrive $0xFFFF;
	s2 =	simm.s32 @!p0 $0x1C07  }
0x181: {  	[timem:s3], [sflag:s2] =	dma.local @!p0 [hbm:s0], s1  }
0x182: {  	s0 =	simm.s32 @!p0 $0x7  }
0x183: {  	_ =	swait.ge @!p0 [sflag:s0], s1  }
0x184: {  	s1 =	ssub.s32 @!p0 $0x0, s1;
	[sflag:s0] =	ssyncset.done @!p0 $0x0  }
0x185: {  	[sflag:s0] =	ssyncadd.s32 @!p0 s1  }
0x186: {  	[bflag:$0x3] =	sbarrier.arrive $0xFFFF  }
0x187: {  	_ =	shalt  }

</sc_bundles>
